<compile_context>
chip_gen: v7x
topology: tpu7x:2x2x1
jax: 0.10.2.dev20260603
libtpu: 0.0.44.dev20260713+nightly
codegen_flags: <defaults>
</compile_context>

<pallas_src>
import functools
import math

import jax
import jax.numpy as jnp
from jax import lax
from jax.experimental import pallas as pl
from jax.experimental.pallas import tpu as pltpu
from jax.experimental.pallas import tpu_sc as plsc

_ROWS, _COLS, _DIM = 16384, 200, 3
_N_IN = _ROWS * _COLS
_NC, _NS, _L = 2, 16, 16
_NW = _NC * _NS
_PER_W = _N_IN // _NW
_BLK = 10_240
_NBLK = _PER_W // _BLK
_NBUF = 3
_CHUNKS = _BLK // _L
_TS, _TL = 8, 128


def _make_kernel():
    mesh = plsc.VectorSubcoreMesh(core_axis_name="c", subcore_axis_name="s")

    @functools.partial(
        pl.kernel,
        mesh=mesh,
        out_type=jax.ShapeDtypeStruct((_DIM * _N_IN,), jnp.float32),
        compiler_params=pltpu.CompilerParams(needs_layout_passes=False),
        scratch_types=(
            [pltpu.VMEM((2 * _DIM * _L,), jnp.float32)]
            + [pltpu.VMEM((_BLK,), jnp.int32)] * _NBUF
            + [pltpu.VMEM((_BLK,), jnp.float32)] * (3 * _NBUF)
            + [pltpu.SemaphoreType.DMA] * (2 * _NBUF)
        ),
    )
    def emb_kernel(x_hbm, wsplat_hbm, out_hbm, ws_v, *scratch):
        xbs = scratch[:_NBUF]
        obs = tuple(
            scratch[_NBUF + 3 * u:_NBUF + 3 * u + 3] for u in range(_NBUF))
        sins = scratch[4 * _NBUF:5 * _NBUF]
        souts = scratch[5 * _NBUF:6 * _NBUF]
        wid = lax.axis_index("s") * _NC + lax.axis_index("c")
        base = wid * _PER_W

        pltpu.sync_copy(wsplat_hbm, ws_v)
        ws_cur = tuple(ws_v[pl.ds(v * _L, _L)] for v in range(2 * _DIM))

        def start_in(b):
            ib = pl.multiple_of(base + b * _BLK, 8)
            return pltpu.async_copy(
                x_hbm.at[pl.ds(ib, _BLK)], xbs[b % _NBUF], sins[b % _NBUF])

        in_copies = [None] * _NBLK
        out_copies = [None] * _NBLK
        for b in range(_NBUF):
            in_copies[b] = start_in(b)
        for b in range(_NBLK):
            buf = b % _NBUF
            in_copies[b].wait()
            if b >= _NBUF:
                for c in out_copies[b - _NBUF]:
                    c.wait()

            xb = xbs[buf]
            ob = obs[buf]

            def chunk(t, ws):
                (w00, w01, w02, w10, w11, w12) = ws
                w0 = (w00, w01, w02)
                w1 = (w10, w11, w12)
                off = t * _L
                m = xb[pl.ds(off, _L)] > 0
                for k in range(_DIM):
                    ob[k][pl.ds(off, _L)] = jnp.where(m, w1[k], w0[k])
                return ws

            ws_cur = plsc.parallel_loop(
                0, _CHUNKS, unroll=8, carry=ws_cur)(chunk)

            ocs = []
            for k in range(_DIM):
                oo = pl.multiple_of(k * _N_IN + base + b * _BLK, 8)
                ocs.append(pltpu.async_copy(
                    ob[k], out_hbm.at[pl.ds(oo, _BLK)], souts[buf]))
            out_copies[b] = ocs
            if b + _NBUF < _NBLK:
                in_copies[b + _NBUF] = start_in(b + _NBUF)
        for b in range(_NBLK - _NBUF, _NBLK):
            for c in out_copies[b]:
                c.wait()
        ws_v[pl.ds(0, _L)] = ws_cur[0]

    return emb_kernel


_emb_kernel = _make_kernel()


def kernel(x, emb_weight):
    xraw = x.reshape(_ROWS // _TL, _TL, _COLS // _TS, _TS)
    xraw = xraw.transpose(2, 0, 3, 1).reshape(-1)
    ws = emb_weight.astype(jnp.float32) * jnp.float32(math.sqrt(3.0))
    wsplat = jnp.broadcast_to(
        ws.reshape(2 * _DIM, 1), (2 * _DIM, _L)).reshape(-1)
    out_flat = _emb_kernel(xraw, wsplat)
    o5 = out_flat.reshape(_DIM, _COLS // _TS, _ROWS // _TL, _TS, _TL)
    return o5.transpose(2, 4, 1, 3, 0).reshape(_ROWS, _COLS, _DIM)

# --- scband reference (transcript-rebuilt; emitter-appended) ---
"""Pipeline reference for scband-embedding-32100585570466 (READ-ONLY COPY).

The authoritative reference and input builder live on the scoring server;
editing this copy changes nothing except your own understanding.
"""

import jax, jax.numpy as jnp
import numpy as np
import math

def setup_inputs(seed: int = 0) -> dict:
    key = jax.random.key(seed)
    k1, k2 = jax.random.split(key)
    x = jax.random.randint(k1, (16384, 200), 0, 2, dtype=jnp.int64 if jax.config.jax_enable_x64 else jnp.int32)
    # nn.Embedding weight init: N(0, 1)
    emb_weight = jax.random.normal(k2, (2, 3), dtype=jnp.float32)
    return {"x": x, "emb_weight": emb_weight}

def reference(x, emb_weight):
    # Faithful translation of: self.emb(x) * math.sqrt(3)
    out = jnp.take(emb_weight, x, axis=0) * math.sqrt(3)
    return out

if __name__ == "__main__":
    import jax
    _d = setup_inputs()
    print(jax.jit(kernel)(*tuple(_d.values())))

</pallas_src>

<mosaic_0001>
#map = affine_map<(d0, d1) -> (0)>
module attributes {stable_mosaic.version = 14 : i64} {
  func.func @emb_kernel(%arg0: i32, %arg1: i32, %arg2: memref<3276800xi32, #tpu.memory_space<hbm>>, %arg3: memref<96xf32, #tpu.memory_space<hbm>>, %arg4: memref<9830400xf32, #tpu.memory_space<hbm>>, %arg5: memref<96xf32, #tpu.memory_space<vmem>>, %arg6: memref<10240xi32, #tpu.memory_space<vmem>>, %arg7: memref<10240xi32, #tpu.memory_space<vmem>>, %arg8: memref<10240xi32, #tpu.memory_space<vmem>>, %arg9: memref<10240xf32, #tpu.memory_space<vmem>>, %arg10: memref<10240xf32, #tpu.memory_space<vmem>>, %arg11: memref<10240xf32, #tpu.memory_space<vmem>>, %arg12: memref<10240xf32, #tpu.memory_space<vmem>>, %arg13: memref<10240xf32, #tpu.memory_space<vmem>>, %arg14: memref<10240xf32, #tpu.memory_space<vmem>>, %arg15: memref<10240xf32, #tpu.memory_space<vmem>>, %arg16: memref<10240xf32, #tpu.memory_space<vmem>>, %arg17: memref<10240xf32, #tpu.memory_space<vmem>>, %arg18: memref<!tpu.dma_semaphore, #tpu.memory_space<semaphore_mem>>, %arg19: memref<!tpu.dma_semaphore, #tpu.memory_space<semaphore_mem>>, %arg20: memref<!tpu.dma_semaphore, #tpu.memory_space<semaphore_mem>>, %arg21: memref<!tpu.dma_semaphore, #tpu.memory_space<semaphore_mem>>, %arg22: memref<!tpu.dma_semaphore, #tpu.memory_space<semaphore_mem>>, %arg23: memref<!tpu.dma_semaphore, #tpu.memory_space<semaphore_mem>>) attributes {dimension_semantics = [#tpu.dimension_semantics<core_parallel>, #tpu.dimension_semantics<subcore_parallel>], iteration_bounds = array<i64: 2, 16>, scalar_prefetch = 0 : i64, scratch_operands = 19 : i64, tpu.core_type = #tpu.core_type<sc_vector_subcore>, window_params = [{transform_indices = #map}, {transform_indices = #map}, {transform_indices = #map}]} {
    %mul3A = arith.constant 2 : i32
    %mul3A_0 = arith.muli %arg1, %mul3A : i32
    %add3A = arith.addi %mul3A_0, %arg0 : i32
    %mul3A_1 = arith.constant 102400 : i32
    %mul3A_2 = arith.muli %add3A, %mul3A_1 : i32
    "tpu.region"() ({
      %run_scoped3A = tpu.sem_alloc : memref<!tpu.dma_semaphore, #tpu.memory_space<semaphore_mem>>
      tpu.enqueue_dma source(%arg3 : memref<96xf32, #tpu.memory_space<hbm>>) target(%arg5 : memref<96xf32, #tpu.memory_space<vmem>>) target_semaphore(%run_scoped3A : memref<!tpu.dma_semaphore, #tpu.memory_space<semaphore_mem>>)
      tpu.wait_dma2 semaphore(%run_scoped3A : memref<!tpu.dma_semaphore, #tpu.memory_space<semaphore_mem>>) src(%arg3 : memref<96xf32, #tpu.memory_space<hbm>>) dst(%arg5 : memref<96xf32, #tpu.memory_space<vmem>>)
      tpu.yield
    }) : () -> ()
    %get3A = arith.constant 0 : index
    %get3A_3 = tpu.vector_load %arg5[%get3A] {strides = array<i32>} : memref<96xf32, #tpu.memory_space<vmem>>, vector<16xf32>,
    %get3A_4 = arith.constant 16 : index
    %get3A_5 = tpu.vector_load %arg5[%get3A_4] {strides = array<i32>} : memref<96xf32, #tpu.memory_space<vmem>>, vector<16xf32>,
    %get3A_6 = arith.constant 32 : index
    %get3A_7 = tpu.vector_load %arg5[%get3A_6] {strides = array<i32>} : memref<96xf32, #tpu.memory_space<vmem>>, vector<16xf32>,
    %get3A_8 = arith.constant 48 : index
    %get3A_9 = tpu.vector_load %arg5[%get3A_8] {strides = array<i32>} : memref<96xf32, #tpu.memory_space<vmem>>, vector<16xf32>,
    %get3A_10 = arith.constant 64 : index
    %get3A_11 = tpu.vector_load %arg5[%get3A_10] {strides = array<i32>} : memref<96xf32, #tpu.memory_space<vmem>>, vector<16xf32>,
    %get3A_12 = arith.constant 80 : index
    %get3A_13 = tpu.vector_load %arg5[%get3A_12] {strides = array<i32>} : memref<96xf32, #tpu.memory_space<vmem>>, vector<16xf32>,
    %add3A_14 = arith.constant 0 : i32
    %add3A_15 = arith.addi %mul3A_2, %add3A_14 : i32
    %multiple_of3A = tpu.assume_multiple %add3A_15, 8 : i32
    %dma_start3A = tpu.memref_slice %arg2[%multiple_of3A] : memref<3276800xi32, #tpu.memory_space<hbm>> -> memref<10240xi32, #tpu.memory_space<hbm>>
    %dma_start3A_16 = tpu.memref_slice %arg2[%multiple_of3A] : memref<3276800xi32, #tpu.memory_space<hbm>> -> memref<10240xi32, #tpu.memory_space<hbm>>
    tpu.enqueue_dma source(%dma_start3A_16 : memref<10240xi32, #tpu.memory_space<hbm>>) target(%arg6 : memref<10240xi32, #tpu.memory_space<vmem>>) target_semaphore(%arg18 : memref<!tpu.dma_semaphore, #tpu.memory_space<semaphore_mem>>)
    %add3A_17 = arith.constant 10240 : i32
    %add3A_18 = arith.addi %mul3A_2, %add3A_17 : i32
    %multiple_of3A_19 = tpu.assume_multiple %add3A_18, 8 : i32
    %dma_start3A_20 = tpu.memref_slice %arg2[%multiple_of3A_19] : memref<3276800xi32, #tpu.memory_space<hbm>> -> memref<10240xi32, #tpu.memory_space<hbm>>
    %dma_start3A_21 = tpu.memref_slice %arg2[%multiple_of3A_19] : memref<3276800xi32, #tpu.memory_space<hbm>> -> memref<10240xi32, #tpu.memory_space<hbm>>
    tpu.enqueue_dma source(%dma_start3A_21 : memref<10240xi32, #tpu.memory_space<hbm>>) target(%arg7 : memref<10240xi32, #tpu.memory_space<vmem>>) target_semaphore(%arg19 : memref<!tpu.dma_semaphore, #tpu.memory_space<semaphore_mem>>)
    %add3A_22 = arith.constant 20480 : i32
    %add3A_23 = arith.addi %mul3A_2, %add3A_22 : i32
    %multiple_of3A_24 = tpu.assume_multiple %add3A_23, 8 : i32
    %dma_start3A_25 = tpu.memref_slice %arg2[%multiple_of3A_24] : memref<3276800xi32, #tpu.memory_space<hbm>> -> memref<10240xi32, #tpu.memory_space<hbm>>
    %dma_start3A_26 = tpu.memref_slice %arg2[%multiple_of3A_24] : memref<3276800xi32, #tpu.memory_space<hbm>> -> memref<10240xi32, #tpu.memory_space<hbm>>
    tpu.enqueue_dma source(%dma_start3A_26 : memref<10240xi32, #tpu.memory_space<hbm>>) target(%arg8 : memref<10240xi32, #tpu.memory_space<vmem>>) target_semaphore(%arg20 : memref<!tpu.dma_semaphore, #tpu.memory_space<semaphore_mem>>)
    %dma_wait3A = tpu.memref_slice %arg2[%multiple_of3A] : memref<3276800xi32, #tpu.memory_space<hbm>> -> memref<10240xi32, #tpu.memory_space<hbm>>
    %dma_wait3A_27 = tpu.memref_slice %arg2[%multiple_of3A] : memref<3276800xi32, #tpu.memory_space<hbm>> -> memref<10240xi32, #tpu.memory_space<hbm>>
    tpu.wait_dma2 semaphore(%arg18 : memref<!tpu.dma_semaphore, #tpu.memory_space<semaphore_mem>>) src(%dma_wait3A_27 : memref<10240xi32, #tpu.memory_space<hbm>>) dst(%arg6 : memref<10240xi32, #tpu.memory_space<vmem>>)
    %parallel_loop3A = arith.constant 0 : i32
    %parallel_loop3A_28 = arith.constant 640 : i32
    %parallel_loop3A_29 = arith.constant 1 : i32
    %parallel_loop3A_30:6 = scf.for %parallel_loop3A_391 = %parallel_loop3A to %parallel_loop3A_28 step %parallel_loop3A_29 iter_args(%parallel_loop3A_392 = %get3A_3, %parallel_loop3A_393 = %get3A_5, %parallel_loop3A_394 = %get3A_7, %parallel_loop3A_395 = %get3A_9, %parallel_loop3A_396 = %get3A_11, %parallel_loop3A_397 = %get3A_13) -> (vector<16xf32>, vector<16xf32>, vector<16xf32>, vector<16xf32>, vector<16xf32>, vector<16xf32>)  : i32 {
      %parallel_loop3A_398 = arith.constant 16 : i32
      %parallel_loop3A_399 = arith.muli %parallel_loop3A_391, %parallel_loop3A_398 : i32
      %parallel_loop3A_400 = arith.index_cast %parallel_loop3A_399 : i32 to index
      %parallel_loop3A_401 = tpu.vector_load %arg6[%parallel_loop3A_400] {strides = array<i32>} : memref<10240xi32, #tpu.memory_space<vmem>>, vector<16xi32>,
      %parallel_loop3A_402 = arith.constant 0 : i32
      %parallel_loop3A_403 = vector.broadcast %parallel_loop3A_402 : i32 to vector<16xi32>
      %parallel_loop3A_404 = arith.cmpi sgt, %parallel_loop3A_401, %parallel_loop3A_403 : vector<16xi32>
      %parallel_loop3A_405 = arith.select %parallel_loop3A_404, %parallel_loop3A_395, %parallel_loop3A_392 : vector<16xi1>, vector<16xf32>
      %parallel_loop3A_406 = arith.index_cast %parallel_loop3A_399 : i32 to index
      %parallel_loop3A_407 = tpu.vector_load %arg9[%parallel_loop3A_406] {strides = array<i32>} : memref<10240xf32, #tpu.memory_space<vmem>>, vector<16xf32>,
      tpu.vector_store %arg9[%parallel_loop3A_406], %parallel_loop3A_405 {strides = array<i32>} : memref<10240xf32, #tpu.memory_space<vmem>>, vector<16xf32>,
      %parallel_loop3A_408 = arith.select %parallel_loop3A_404, %parallel_loop3A_396, %parallel_loop3A_393 : vector<16xi1>, vector<16xf32>
      %parallel_loop3A_409 = arith.index_cast %parallel_loop3A_399 : i32 to index
      %parallel_loop3A_410 = tpu.vector_load %arg10[%parallel_loop3A_409] {strides = array<i32>} : memref<10240xf32, #tpu.memory_space<vmem>>, vector<16xf32>,
      tpu.vector_store %arg10[%parallel_loop3A_409], %parallel_loop3A_408 {strides = array<i32>} : memref<10240xf32, #tpu.memory_space<vmem>>, vector<16xf32>,
      %parallel_loop3A_411 = arith.select %parallel_loop3A_404, %parallel_loop3A_397, %parallel_loop3A_394 : vector<16xi1>, vector<16xf32>
      %parallel_loop3A_412 = arith.index_cast %parallel_loop3A_399 : i32 to index
      %parallel_loop3A_413 = tpu.vector_load %arg11[%parallel_loop3A_412] {strides = array<i32>} : memref<10240xf32, #tpu.memory_space<vmem>>, vector<16xf32>,
      tpu.vector_store %arg11[%parallel_loop3A_412], %parallel_loop3A_411 {strides = array<i32>} : memref<10240xf32, #tpu.memory_space<vmem>>, vector<16xf32>,
      scf.yield %parallel_loop3A_392, %parallel_loop3A_393, %parallel_loop3A_394, %parallel_loop3A_395, %parallel_loop3A_396, %parallel_loop3A_397 : vector<16xf32>, vector<16xf32>, vector<16xf32>, vector<16xf32>, vector<16xf32>, vector<16xf32>
    } {sc.loop_unroll_factor = 8 : i64, sc.parallel_access}
    %add3A_31 = arith.constant 0 : i32
    %add3A_32 = arith.addi %add3A_31, %mul3A_2 : i32
    %add3A_33 = arith.constant 0 : i32
    %add3A_34 = arith.addi %add3A_32, %add3A_33 : i32
    %multiple_of3A_35 = tpu.assume_multiple %add3A_34, 8 : i32
    %dma_start3A_36 = tpu.memref_slice %arg4[%multiple_of3A_35] : memref<9830400xf32, #tpu.memory_space<hbm>> -> memref<10240xf32, #tpu.memory_space<hbm>>
    %dma_start3A_37 = tpu.memref_slice %arg4[%multiple_of3A_35] : memref<9830400xf32, #tpu.memory_space<hbm>> -> memref<10240xf32, #tpu.memory_space<hbm>>
    tpu.enqueue_dma source(%arg9 : memref<10240xf32, #tpu.memory_space<vmem>>) target(%dma_start3A_37 : memref<10240xf32, #tpu.memory_space<hbm>>) target_semaphore(%arg21 : memref<!tpu.dma_semaphore, #tpu.memory_space<semaphore_mem>>)
    %add3A_38 = arith.constant 3276800 : i32
    %add3A_39 = arith.addi %add3A_38, %mul3A_2 : i32
    %add3A_40 = arith.constant 0 : i32
    %add3A_41 = arith.addi %add3A_39, %add3A_40 : i32
    %multiple_of3A_42 = tpu.assume_multiple %add3A_41, 8 : i32
    %dma_start3A_43 = tpu.memref_slice %arg4[%multiple_of3A_42] : memref<9830400xf32, #tpu.memory_space<hbm>> -> memref<10240xf32, #tpu.memory_space<hbm>>
    %dma_start3A_44 = tpu.memref_slice %arg4[%multiple_of3A_42] : memref<9830400xf32, #tpu.memory_space<hbm>> -> memref<10240xf32, #tpu.memory_space<hbm>>
    tpu.enqueue_dma source(%arg10 : memref<10240xf32, #tpu.memory_space<vmem>>) target(%dma_start3A_44 : memref<10240xf32, #tpu.memory_space<hbm>>) target_semaphore(%arg21 : memref<!tpu.dma_semaphore, #tpu.memory_space<semaphore_mem>>)
    %add3A_45 = arith.constant 6553600 : i32
    %add3A_46 = arith.addi %add3A_45, %mul3A_2 : i32
    %add3A_47 = arith.constant 0 : i32
    %add3A_48 = arith.addi %add3A_46, %add3A_47 : i32
    %multiple_of3A_49 = tpu.assume_multiple %add3A_48, 8 : i32
    %dma_start3A_50 = tpu.memref_slice %arg4[%multiple_of3A_49] : memref<9830400xf32, #tpu.memory_space<hbm>> -> memref<10240xf32, #tpu.memory_space<hbm>>
    %dma_start3A_51 = tpu.memref_slice %arg4[%multiple_of3A_49] : memref<9830400xf32, #tpu.memory_space<hbm>> -> memref<10240xf32, #tpu.memory_space<hbm>>
    tpu.enqueue_dma source(%arg11 : memref<10240xf32, #tpu.memory_space<vmem>>) target(%dma_start3A_51 : memref<10240xf32, #tpu.memory_space<hbm>>) target_semaphore(%arg21 : memref<!tpu.dma_semaphore, #tpu.memory_space<semaphore_mem>>)
    %add3A_52 = arith.constant 30720 : i32
    %add3A_53 = arith.addi %mul3A_2, %add3A_52 : i32
    %multiple_of3A_54 = tpu.assume_multiple %add3A_53, 8 : i32
    %dma_start3A_55 = tpu.memref_slice %arg2[%multiple_of3A_54] : memref<3276800xi32, #tpu.memory_space<hbm>> -> memref<10240xi32, #tpu.memory_space<hbm>>
    %dma_start3A_56 = tpu.memref_slice %arg2[%multiple_of3A_54] : memref<3276800xi32, #tpu.memory_space<hbm>> -> memref<10240xi32, #tpu.memory_space<hbm>>
    tpu.enqueue_dma source(%dma_start3A_56 : memref<10240xi32, #tpu.memory_space<hbm>>) target(%arg6 : memref<10240xi32, #tpu.memory_space<vmem>>) target_semaphore(%arg18 : memref<!tpu.dma_semaphore, #tpu.memory_space<semaphore_mem>>)
    %dma_wait3A_57 = tpu.memref_slice %arg2[%multiple_of3A_19] : memref<3276800xi32, #tpu.memory_space<hbm>> -> memref<10240xi32, #tpu.memory_space<hbm>>
    %dma_wait3A_58 = tpu.memref_slice %arg2[%multiple_of3A_19] : memref<3276800xi32, #tpu.memory_space<hbm>> -> memref<10240xi32, #tpu.memory_space<hbm>>
    tpu.wait_dma2 semaphore(%arg19 : memref<!tpu.dma_semaphore, #tpu.memory_space<semaphore_mem>>) src(%dma_wait3A_58 : memref<10240xi32, #tpu.memory_space<hbm>>) dst(%arg7 : memref<10240xi32, #tpu.memory_space<vmem>>)
    %parallel_loop3A_59 = arith.constant 0 : i32
    %parallel_loop3A_60 = arith.constant 640 : i32
    %parallel_loop3A_61 = arith.constant 1 : i32
    %parallel_loop3A_62:6 = scf.for %parallel_loop3A_391 = %parallel_loop3A_59 to %parallel_loop3A_60 step %parallel_loop3A_61 iter_args(%parallel_loop3A_392 = %parallel_loop3A_30#0, %parallel_loop3A_393 = %parallel_loop3A_30#1, %parallel_loop3A_394 = %parallel_loop3A_30#2, %parallel_loop3A_395 = %parallel_loop3A_30#3, %parallel_loop3A_396 = %parallel_loop3A_30#4, %parallel_loop3A_397 = %parallel_loop3A_30#5) -> (vector<16xf32>, vector<16xf32>, vector<16xf32>, vector<16xf32>, vector<16xf32>, vector<16xf32>)  : i32 {
      %parallel_loop3A_398 = arith.constant 16 : i32
      %parallel_loop3A_399 = arith.muli %parallel_loop3A_391, %parallel_loop3A_398 : i32
      %parallel_loop3A_400 = arith.index_cast %parallel_loop3A_399 : i32 to index
      %parallel_loop3A_401 = tpu.vector_load %arg7[%parallel_loop3A_400] {strides = array<i32>} : memref<10240xi32, #tpu.memory_space<vmem>>, vector<16xi32>,
      %parallel_loop3A_402 = arith.constant 0 : i32
      %parallel_loop3A_403 = vector.broadcast %parallel_loop3A_402 : i32 to vector<16xi32>
      %parallel_loop3A_404 = arith.cmpi sgt, %parallel_loop3A_401, %parallel_loop3A_403 : vector<16xi32>
      %parallel_loop3A_405 = arith.select %parallel_loop3A_404, %parallel_loop3A_395, %parallel_loop3A_392 : vector<16xi1>, vector<16xf32>
      %parallel_loop3A_406 = arith.index_cast %parallel_loop3A_399 : i32 to index
      %parallel_loop3A_407 = tpu.vector_load %arg12[%parallel_loop3A_406] {strides = array<i32>} : memref<10240xf32, #tpu.memory_space<vmem>>, vector<16xf32>,
      tpu.vector_store %arg12[%parallel_loop3A_406], %parallel_loop3A_405 {strides = array<i32>} : memref<10240xf32, #tpu.memory_space<vmem>>, vector<16xf32>,
      %parallel_loop3A_408 = arith.select %parallel_loop3A_404, %parallel_loop3A_396, %parallel_loop3A_393 : vector<16xi1>, vector<16xf32>
      %parallel_loop3A_409 = arith.index_cast %parallel_loop3A_399 : i32 to index
      %parallel_loop3A_410 = tpu.vector_load %arg13[%parallel_loop3A_409] {strides = array<i32>} : memref<10240xf32, #tpu.memory_space<vmem>>, vector<16xf32>,
      tpu.vector_store %arg13[%parallel_loop3A_409], %parallel_loop3A_408 {strides = array<i32>} : memref<10240xf32, #tpu.memory_space<vmem>>, vector<16xf32>,
      %parallel_loop3A_411 = arith.select %parallel_loop3A_404, %parallel_loop3A_397, %parallel_loop3A_394 : vector<16xi1>, vector<16xf32>
      %parallel_loop3A_412 = arith.index_cast %parallel_loop3A_399 : i32 to index
      %parallel_loop3A_413 = tpu.vector_load %arg14[%parallel_loop3A_412] {strides = array<i32>} : memref<10240xf32, #tpu.memory_space<vmem>>, vector<16xf32>,
      tpu.vector_store %arg14[%parallel_loop3A_412], %parallel_loop3A_411 {strides = array<i32>} : memref<10240xf32, #tpu.memory_space<vmem>>, vector<16xf32>,
      scf.yield %parallel_loop3A_392, %parallel_loop3A_393, %parallel_loop3A_394, %parallel_loop3A_395, %parallel_loop3A_396, %parallel_loop3A_397 : vector<16xf32>, vector<16xf32>, vector<16xf32>, vector<16xf32>, vector<16xf32>, vector<16xf32>
    } {sc.loop_unroll_factor = 8 : i64, sc.parallel_access}
    %add3A_63 = arith.constant 0 : i32
    %add3A_64 = arith.addi %add3A_63, %mul3A_2 : i32
    %add3A_65 = arith.constant 10240 : i32
    %add3A_66 = arith.addi %add3A_64, %add3A_65 : i32
    %multiple_of3A_67 = tpu.assume_multiple %add3A_66, 8 : i32
    %dma_start3A_68 = tpu.memref_slice %arg4[%multiple_of3A_67] : memref<9830400xf32, #tpu.memory_space<hbm>> -> memref<10240xf32, #tpu.memory_space<hbm>>
    %dma_start3A_69 = tpu.memref_slice %arg4[%multiple_of3A_67] : memref<9830400xf32, #tpu.memory_space<hbm>> -> memref<10240xf32, #tpu.memory_space<hbm>>
    tpu.enqueue_dma source(%arg12 : memref<10240xf32, #tpu.memory_space<vmem>>) target(%dma_start3A_69 : memref<10240xf32, #tpu.memory_space<hbm>>) target_semaphore(%arg22 : memref<!tpu.dma_semaphore, #tpu.memory_space<semaphore_mem>>)
    %add3A_70 = arith.constant 3276800 : i32
    %add3A_71 = arith.addi %add3A_70, %mul3A_2 : i32
    %add3A_72 = arith.constant 10240 : i32
    %add3A_73 = arith.addi %add3A_71, %add3A_72 : i32
    %multiple_of3A_74 = tpu.assume_multiple %add3A_73, 8 : i32
    %dma_start3A_75 = tpu.memref_slice %arg4[%multiple_of3A_74] : memref<9830400xf32, #tpu.memory_space<hbm>> -> memref<10240xf32, #tpu.memory_space<hbm>>
    %dma_start3A_76 = tpu.memref_slice %arg4[%multiple_of3A_74] : memref<9830400xf32, #tpu.memory_space<hbm>> -> memref<10240xf32, #tpu.memory_space<hbm>>
    tpu.enqueue_dma source(%arg13 : memref<10240xf32, #tpu.memory_space<vmem>>) target(%dma_start3A_76 : memref<10240xf32, #tpu.memory_space<hbm>>) target_semaphore(%arg22 : memref<!tpu.dma_semaphore, #tpu.memory_space<semaphore_mem>>)
    %add3A_77 = arith.constant 6553600 : i32
    %add3A_78 = arith.addi %add3A_77, %mul3A_2 : i32
    %add3A_79 = arith.constant 10240 : i32
    %add3A_80 = arith.addi %add3A_78, %add3A_79 : i32
    %multiple_of3A_81 = tpu.assume_multiple %add3A_80, 8 : i32
    %dma_start3A_82 = tpu.memref_slice %arg4[%multiple_of3A_81] : memref<9830400xf32, #tpu.memory_space<hbm>> -> memref<10240xf32, #tpu.memory_space<hbm>>
    %dma_start3A_83 = tpu.memref_slice %arg4[%multiple_of3A_81] : memref<9830400xf32, #tpu.memory_space<hbm>> -> memref<10240xf32, #tpu.memory_space<hbm>>
    tpu.enqueue_dma source(%arg14 : memref<10240xf32, #tpu.memory_space<vmem>>) target(%dma_start3A_83 : memref<10240xf32, #tpu.memory_space<hbm>>) target_semaphore(%arg22 : memref<!tpu.dma_semaphore, #tpu.memory_space<semaphore_mem>>)
    %add3A_84 = arith.constant 40960 : i32
    %add3A_85 = arith.addi %mul3A_2, %add3A_84 : i32
    %multiple_of3A_86 = tpu.assume_multiple %add3A_85, 8 : i32
    %dma_start3A_87 = tpu.memref_slice %arg2[%multiple_of3A_86] : memref<3276800xi32, #tpu.memory_space<hbm>> -> memref<10240xi32, #tpu.memory_space<hbm>>
    %dma_start3A_88 = tpu.memref_slice %arg2[%multiple_of3A_86] : memref<3276800xi32, #tpu.memory_space<hbm>> -> memref<10240xi32, #tpu.memory_space<hbm>>
    tpu.enqueue_dma source(%dma_start3A_88 : memref<10240xi32, #tpu.memory_space<hbm>>) target(%arg7 : memref<10240xi32, #tpu.memory_space<vmem>>) target_semaphore(%arg19 : memref<!tpu.dma_semaphore, #tpu.memory_space<semaphore_mem>>)
    %dma_wait3A_89 = tpu.memref_slice %arg2[%multiple_of3A_24] : memref<3276800xi32, #tpu.memory_space<hbm>> -> memref<10240xi32, #tpu.memory_space<hbm>>
    %dma_wait3A_90 = tpu.memref_slice %arg2[%multiple_of3A_24] : memref<3276800xi32, #tpu.memory_space<hbm>> -> memref<10240xi32, #tpu.memory_space<hbm>>
    tpu.wait_dma2 semaphore(%arg20 : memref<!tpu.dma_semaphore, #tpu.memory_space<semaphore_mem>>) src(%dma_wait3A_90 : memref<10240xi32, #tpu.memory_space<hbm>>) dst(%arg8 : memref<10240xi32, #tpu.memory_space<vmem>>)
    %parallel_loop3A_91 = arith.constant 0 : i32
    %parallel_loop3A_92 = arith.constant 640 : i32
    %parallel_loop3A_93 = arith.constant 1 : i32
    %parallel_loop3A_94:6 = scf.for %parallel_loop3A_391 = %parallel_loop3A_91 to %parallel_loop3A_92 step %parallel_loop3A_93 iter_args(%parallel_loop3A_392 = %parallel_loop3A_62#0, %parallel_loop3A_393 = %parallel_loop3A_62#1, %parallel_loop3A_394 = %parallel_loop3A_62#2, %parallel_loop3A_395 = %parallel_loop3A_62#3, %parallel_loop3A_396 = %parallel_loop3A_62#4, %parallel_loop3A_397 = %parallel_loop3A_62#5) -> (vector<16xf32>, vector<16xf32>, vector<16xf32>, vector<16xf32>, vector<16xf32>, vector<16xf32>)  : i32 {
      %parallel_loop3A_398 = arith.constant 16 : i32
      %parallel_loop3A_399 = arith.muli %parallel_loop3A_391, %parallel_loop3A_398 : i32
      %parallel_loop3A_400 = arith.index_cast %parallel_loop3A_399 : i32 to index
      %parallel_loop3A_401 = tpu.vector_load %arg8[%parallel_loop3A_400] {strides = array<i32>} : memref<10240xi32, #tpu.memory_space<vmem>>, vector<16xi32>,
      %parallel_loop3A_402 = arith.constant 0 : i32
      %parallel_loop3A_403 = vector.broadcast %parallel_loop3A_402 : i32 to vector<16xi32>
      %parallel_loop3A_404 = arith.cmpi sgt, %parallel_loop3A_401, %parallel_loop3A_403 : vector<16xi32>
      %parallel_loop3A_405 = arith.select %parallel_loop3A_404, %parallel_loop3A_395, %parallel_loop3A_392 : vector<16xi1>, vector<16xf32>
      %parallel_loop3A_406 = arith.index_cast %parallel_loop3A_399 : i32 to index
      %parallel_loop3A_407 = tpu.vector_load %arg15[%parallel_loop3A_406] {strides = array<i32>} : memref<10240xf32, #tpu.memory_space<vmem>>, vector<16xf32>,
      tpu.vector_store %arg15[%parallel_loop3A_406], %parallel_loop3A_405 {strides = array<i32>} : memref<10240xf32, #tpu.memory_space<vmem>>, vector<16xf32>,
      %parallel_loop3A_408 = arith.select %parallel_loop3A_404, %parallel_loop3A_396, %parallel_loop3A_393 : vector<16xi1>, vector<16xf32>
      %parallel_loop3A_409 = arith.index_cast %parallel_loop3A_399 : i32 to index
      %parallel_loop3A_410 = tpu.vector_load %arg16[%parallel_loop3A_409] {strides = array<i32>} : memref<10240xf32, #tpu.memory_space<vmem>>, vector<16xf32>,
      tpu.vector_store %arg16[%parallel_loop3A_409], %parallel_loop3A_408 {strides = array<i32>} : memref<10240xf32, #tpu.memory_space<vmem>>, vector<16xf32>,
      %parallel_loop3A_411 = arith.select %parallel_loop3A_404, %parallel_loop3A_397, %parallel_loop3A_394 : vector<16xi1>, vector<16xf32>
      %parallel_loop3A_412 = arith.index_cast %parallel_loop3A_399 : i32 to index
      %parallel_loop3A_413 = tpu.vector_load %arg17[%parallel_loop3A_412] {strides = array<i32>} : memref<10240xf32, #tpu.memory_space<vmem>>, vector<16xf32>,
      tpu.vector_store %arg17[%parallel_loop3A_412], %parallel_loop3A_411 {strides = array<i32>} : memref<10240xf32, #tpu.memory_space<vmem>>, vector<16xf32>,
      scf.yield %parallel_loop3A_392, %parallel_loop3A_393, %parallel_loop3A_394, %parallel_loop3A_395, %parallel_loop3A_396, %parallel_loop3A_397 : vector<16xf32>, vector<16xf32>, vector<16xf32>, vector<16xf32>, vector<16xf32>, vector<16xf32>
    } {sc.loop_unroll_factor = 8 : i64, sc.parallel_access}
    %add3A_95 = arith.constant 0 : i32
    %add3A_96 = arith.addi %add3A_95, %mul3A_2 : i32
    %add3A_97 = arith.constant 20480 : i32
    %add3A_98 = arith.addi %add3A_96, %add3A_97 : i32
    %multiple_of3A_99 = tpu.assume_multiple %add3A_98, 8 : i32
    %dma_start3A_100 = tpu.memref_slice %arg4[%multiple_of3A_99] : memref<9830400xf32, #tpu.memory_space<hbm>> -> memref<10240xf32, #tpu.memory_space<hbm>>
    %dma_start3A_101 = tpu.memref_slice %arg4[%multiple_of3A_99] : memref<9830400xf32, #tpu.memory_space<hbm>> -> memref<10240xf32, #tpu.memory_space<hbm>>
    tpu.enqueue_dma source(%arg15 : memref<10240xf32, #tpu.memory_space<vmem>>) target(%dma_start3A_101 : memref<10240xf32, #tpu.memory_space<hbm>>) target_semaphore(%arg23 : memref<!tpu.dma_semaphore, #tpu.memory_space<semaphore_mem>>)
    %add3A_102 = arith.constant 3276800 : i32
    %add3A_103 = arith.addi %add3A_102, %mul3A_2 : i32
    %add3A_104 = arith.constant 20480 : i32
    %add3A_105 = arith.addi %add3A_103, %add3A_104 : i32
    %multiple_of3A_106 = tpu.assume_multiple %add3A_105, 8 : i32
    %dma_start3A_107 = tpu.memref_slice %arg4[%multiple_of3A_106] : memref<9830400xf32, #tpu.memory_space<hbm>> -> memref<10240xf32, #tpu.memory_space<hbm>>
    %dma_start3A_108 = tpu.memref_slice %arg4[%multiple_of3A_106] : memref<9830400xf32, #tpu.memory_space<hbm>> -> memref<10240xf32, #tpu.memory_space<hbm>>
    tpu.enqueue_dma source(%arg16 : memref<10240xf32, #tpu.memory_space<vmem>>) target(%dma_start3A_108 : memref<10240xf32, #tpu.memory_space<hbm>>) target_semaphore(%arg23 : memref<!tpu.dma_semaphore, #tpu.memory_space<semaphore_mem>>)
    %add3A_109 = arith.constant 6553600 : i32
    %add3A_110 = arith.addi %add3A_109, %mul3A_2 : i32
    %add3A_111 = arith.constant 20480 : i32
    %add3A_112 = arith.addi %add3A_110, %add3A_111 : i32
    %multiple_of3A_113 = tpu.assume_multiple %add3A_112, 8 : i32
    %dma_start3A_114 = tpu.memref_slice %arg4[%multiple_of3A_113] : memref<9830400xf32, #tpu.memory_space<hbm>> -> memref<10240xf32, #tpu.memory_space<hbm>>
    %dma_start3A_115 = tpu.memref_slice %arg4[%multiple_of3A_113] : memref<9830400xf32, #tpu.memory_space<hbm>> -> memref<10240xf32, #tpu.memory_space<hbm>>
    tpu.enqueue_dma source(%arg17 : memref<10240xf32, #tpu.memory_space<vmem>>) target(%dma_start3A_115 : memref<10240xf32, #tpu.memory_space<hbm>>) target_semaphore(%arg23 : memref<!tpu.dma_semaphore, #tpu.memory_space<semaphore_mem>>)
    %add3A_116 = arith.constant 51200 : i32
    %add3A_117 = arith.addi %mul3A_2, %add3A_116 : i32
    %multiple_of3A_118 = tpu.assume_multiple %add3A_117, 8 : i32
    %dma_start3A_119 = tpu.memref_slice %arg2[%multiple_of3A_118] : memref<3276800xi32, #tpu.memory_space<hbm>> -> memref<10240xi32, #tpu.memory_space<hbm>>
    %dma_start3A_120 = tpu.memref_slice %arg2[%multiple_of3A_118] : memref<3276800xi32, #tpu.memory_space<hbm>> -> memref<10240xi32, #tpu.memory_space<hbm>>
    tpu.enqueue_dma source(%dma_start3A_120 : memref<10240xi32, #tpu.memory_space<hbm>>) target(%arg8 : memref<10240xi32, #tpu.memory_space<vmem>>) target_semaphore(%arg20 : memref<!tpu.dma_semaphore, #tpu.memory_space<semaphore_mem>>)
    %dma_wait3A_121 = tpu.memref_slice %arg2[%multiple_of3A_54] : memref<3276800xi32, #tpu.memory_space<hbm>> -> memref<10240xi32, #tpu.memory_space<hbm>>
    %dma_wait3A_122 = tpu.memref_slice %arg2[%multiple_of3A_54] : memref<3276800xi32, #tpu.memory_space<hbm>> -> memref<10240xi32, #tpu.memory_space<hbm>>
    tpu.wait_dma2 semaphore(%arg18 : memref<!tpu.dma_semaphore, #tpu.memory_space<semaphore_mem>>) src(%dma_wait3A_122 : memref<10240xi32, #tpu.memory_space<hbm>>) dst(%arg6 : memref<10240xi32, #tpu.memory_space<vmem>>)
    %dma_wait3A_123 = tpu.memref_slice %arg4[%multiple_of3A_35] : memref<9830400xf32, #tpu.memory_space<hbm>> -> memref<10240xf32, #tpu.memory_space<hbm>>
    %dma_wait3A_124 = tpu.memref_slice %arg4[%multiple_of3A_35] : memref<9830400xf32, #tpu.memory_space<hbm>> -> memref<10240xf32, #tpu.memory_space<hbm>>
    tpu.wait_dma2 semaphore(%arg21 : memref<!tpu.dma_semaphore, #tpu.memory_space<semaphore_mem>>) src(%arg9 : memref<10240xf32, #tpu.memory_space<vmem>>) dst(%dma_wait3A_124 : memref<10240xf32, #tpu.memory_space<hbm>>)
    %dma_wait3A_125 = tpu.memref_slice %arg4[%multiple_of3A_42] : memref<9830400xf32, #tpu.memory_space<hbm>> -> memref<10240xf32, #tpu.memory_space<hbm>>
    %dma_wait3A_126 = tpu.memref_slice %arg4[%multiple_of3A_42] : memref<9830400xf32, #tpu.memory_space<hbm>> -> memref<10240xf32, #tpu.memory_space<hbm>>
    tpu.wait_dma2 semaphore(%arg21 : memref<!tpu.dma_semaphore, #tpu.memory_space<semaphore_mem>>) src(%arg10 : memref<10240xf32, #tpu.memory_space<vmem>>) dst(%dma_wait3A_126 : memref<10240xf32, #tpu.memory_space<hbm>>)
    %dma_wait3A_127 = tpu.memref_slice %arg4[%multiple_of3A_49] : memref<9830400xf32, #tpu.memory_space<hbm>> -> memref<10240xf32, #tpu.memory_space<hbm>>
    %dma_wait3A_128 = tpu.memref_slice %arg4[%multiple_of3A_49] : memref<9830400xf32, #tpu.memory_space<hbm>> -> memref<10240xf32, #tpu.memory_space<hbm>>
    tpu.wait_dma2 semaphore(%arg21 : memref<!tpu.dma_semaphore, #tpu.memory_space<semaphore_mem>>) src(%arg11 : memref<10240xf32, #tpu.memory_space<vmem>>) dst(%dma_wait3A_128 : memref<10240xf32, #tpu.memory_space<hbm>>)
    %parallel_loop3A_129 = arith.constant 0 : i32
    %parallel_loop3A_130 = arith.constant 640 : i32
    %parallel_loop3A_131 = arith.constant 1 : i32
    %parallel_loop3A_132:6 = scf.for %parallel_loop3A_391 = %parallel_loop3A_129 to %parallel_loop3A_130 step %parallel_loop3A_131 iter_args(%parallel_loop3A_392 = %parallel_loop3A_94#0, %parallel_loop3A_393 = %parallel_loop3A_94#1, %parallel_loop3A_394 = %parallel_loop3A_94#2, %parallel_loop3A_395 = %parallel_loop3A_94#3, %parallel_loop3A_396 = %parallel_loop3A_94#4, %parallel_loop3A_397 = %parallel_loop3A_94#5) -> (vector<16xf32>, vector<16xf32>, vector<16xf32>, vector<16xf32>, vector<16xf32>, vector<16xf32>)  : i32 {
      %parallel_loop3A_398 = arith.constant 16 : i32
      %parallel_loop3A_399 = arith.muli %parallel_loop3A_391, %parallel_loop3A_398 : i32
      %parallel_loop3A_400 = arith.index_cast %parallel_loop3A_399 : i32 to index
      %parallel_loop3A_401 = tpu.vector_load %arg6[%parallel_loop3A_400] {strides = array<i32>} : memref<10240xi32, #tpu.memory_space<vmem>>, vector<16xi32>,
      %parallel_loop3A_402 = arith.constant 0 : i32
      %parallel_loop3A_403 = vector.broadcast %parallel_loop3A_402 : i32 to vector<16xi32>
      %parallel_loop3A_404 = arith.cmpi sgt, %parallel_loop3A_401, %parallel_loop3A_403 : vector<16xi32>
      %parallel_loop3A_405 = arith.select %parallel_loop3A_404, %parallel_loop3A_395, %parallel_loop3A_392 : vector<16xi1>, vector<16xf32>
      %parallel_loop3A_406 = arith.index_cast %parallel_loop3A_399 : i32 to index
      %parallel_loop3A_407 = tpu.vector_load %arg9[%parallel_loop3A_406] {strides = array<i32>} : memref<10240xf32, #tpu.memory_space<vmem>>, vector<16xf32>,
      tpu.vector_store %arg9[%parallel_loop3A_406], %parallel_loop3A_405 {strides = array<i32>} : memref<10240xf32, #tpu.memory_space<vmem>>, vector<16xf32>,
      %parallel_loop3A_408 = arith.select %parallel_loop3A_404, %parallel_loop3A_396, %parallel_loop3A_393 : vector<16xi1>, vector<16xf32>
      %parallel_loop3A_409 = arith.index_cast %parallel_loop3A_399 : i32 to index
      %parallel_loop3A_410 = tpu.vector_load %arg10[%parallel_loop3A_409] {strides = array<i32>} : memref<10240xf32, #tpu.memory_space<vmem>>, vector<16xf32>,
      tpu.vector_store %arg10[%parallel_loop3A_409], %parallel_loop3A_408 {strides = array<i32>} : memref<10240xf32, #tpu.memory_space<vmem>>, vector<16xf32>,
      %parallel_loop3A_411 = arith.select %parallel_loop3A_404, %parallel_loop3A_397, %parallel_loop3A_394 : vector<16xi1>, vector<16xf32>
      %parallel_loop3A_412 = arith.index_cast %parallel_loop3A_399 : i32 to index
      %parallel_loop3A_413 = tpu.vector_load %arg11[%parallel_loop3A_412] {strides = array<i32>} : memref<10240xf32, #tpu.memory_space<vmem>>, vector<16xf32>,
      tpu.vector_store %arg11[%parallel_loop3A_412], %parallel_loop3A_411 {strides = array<i32>} : memref<10240xf32, #tpu.memory_space<vmem>>, vector<16xf32>,
      scf.yield %parallel_loop3A_392, %parallel_loop3A_393, %parallel_loop3A_394, %parallel_loop3A_395, %parallel_loop3A_396, %parallel_loop3A_397 : vector<16xf32>, vector<16xf32>, vector<16xf32>, vector<16xf32>, vector<16xf32>, vector<16xf32>
    } {sc.loop_unroll_factor = 8 : i64, sc.parallel_access}
    %add3A_133 = arith.constant 0 : i32
    %add3A_134 = arith.addi %add3A_133, %mul3A_2 : i32
    %add3A_135 = arith.constant 30720 : i32
    %add3A_136 = arith.addi %add3A_134, %add3A_135 : i32
    %multiple_of3A_137 = tpu.assume_multiple %add3A_136, 8 : i32
    %dma_start3A_138 = tpu.memref_slice %arg4[%multiple_of3A_137] : memref<9830400xf32, #tpu.memory_space<hbm>> -> memref<10240xf32, #tpu.memory_space<hbm>>
    %dma_start3A_139 = tpu.memref_slice %arg4[%multiple_of3A_137] : memref<9830400xf32, #tpu.memory_space<hbm>> -> memref<10240xf32, #tpu.memory_space<hbm>>
    tpu.enqueue_dma source(%arg9 : memref<10240xf32, #tpu.memory_space<vmem>>) target(%dma_start3A_139 : memref<10240xf32, #tpu.memory_space<hbm>>) target_semaphore(%arg21 : memref<!tpu.dma_semaphore, #tpu.memory_space<semaphore_mem>>)
    %add3A_140 = arith.constant 3276800 : i32
    %add3A_141 = arith.addi %add3A_140, %mul3A_2 : i32
    %add3A_142 = arith.constant 30720 : i32
    %add3A_143 = arith.addi %add3A_141, %add3A_142 : i32
    %multiple_of3A_144 = tpu.assume_multiple %add3A_143, 8 : i32
    %dma_start3A_145 = tpu.memref_slice %arg4[%multiple_of3A_144] : memref<9830400xf32, #tpu.memory_space<hbm>> -> memref<10240xf32, #tpu.memory_space<hbm>>
    %dma_start3A_146 = tpu.memref_slice %arg4[%multiple_of3A_144] : memref<9830400xf32, #tpu.memory_space<hbm>> -> memref<10240xf32, #tpu.memory_space<hbm>>
    tpu.enqueue_dma source(%arg10 : memref<10240xf32, #tpu.memory_space<vmem>>) target(%dma_start3A_146 : memref<10240xf32, #tpu.memory_space<hbm>>) target_semaphore(%arg21 : memref<!tpu.dma_semaphore, #tpu.memory_space<semaphore_mem>>)
    %add3A_147 = arith.constant 6553600 : i32
    %add3A_148 = arith.addi %add3A_147, %mul3A_2 : i32
    %add3A_149 = arith.constant 30720 : i32
    %add3A_150 = arith.addi %add3A_148, %add3A_149 : i32
    %multiple_of3A_151 = tpu.assume_multiple %add3A_150, 8 : i32
    %dma_start3A_152 = tpu.memref_slice %arg4[%multiple_of3A_151] : memref<9830400xf32, #tpu.memory_space<hbm>> -> memref<10240xf32, #tpu.memory_space<hbm>>
    %dma_start3A_153 = tpu.memref_slice %arg4[%multiple_of3A_151] : memref<9830400xf32, #tpu.memory_space<hbm>> -> memref<10240xf32, #tpu.memory_space<hbm>>
    tpu.enqueue_dma source(%arg11 : memref<10240xf32, #tpu.memory_space<vmem>>) target(%dma_start3A_153 : memref<10240xf32, #tpu.memory_space<hbm>>) target_semaphore(%arg21 : memref<!tpu.dma_semaphore, #tpu.memory_space<semaphore_mem>>)
    %add3A_154 = arith.constant 61440 : i32
    %add3A_155 = arith.addi %mul3A_2, %add3A_154 : i32
    %multiple_of3A_156 = tpu.assume_multiple %add3A_155, 8 : i32
    %dma_start3A_157 = tpu.memref_slice %arg2[%multiple_of3A_156] : memref<3276800xi32, #tpu.memory_space<hbm>> -> memref<10240xi32, #tpu.memory_space<hbm>>
    %dma_start3A_158 = tpu.memref_slice %arg2[%multiple_of3A_156] : memref<3276800xi32, #tpu.memory_space<hbm>> -> memref<10240xi32, #tpu.memory_space<hbm>>
    tpu.enqueue_dma source(%dma_start3A_158 : memref<10240xi32, #tpu.memory_space<hbm>>) target(%arg6 : memref<10240xi32, #tpu.memory_space<vmem>>) target_semaphore(%arg18 : memref<!tpu.dma_semaphore, #tpu.memory_space<semaphore_mem>>)
    %dma_wait3A_159 = tpu.memref_slice %arg2[%multiple_of3A_86] : memref<3276800xi32, #tpu.memory_space<hbm>> -> memref<10240xi32, #tpu.memory_space<hbm>>
    %dma_wait3A_160 = tpu.memref_slice %arg2[%multiple_of3A_86] : memref<3276800xi32, #tpu.memory_space<hbm>> -> memref<10240xi32, #tpu.memory_space<hbm>>
    tpu.wait_dma2 semaphore(%arg19 : memref<!tpu.dma_semaphore, #tpu.memory_space<semaphore_mem>>) src(%dma_wait3A_160 : memref<10240xi32, #tpu.memory_space<hbm>>) dst(%arg7 : memref<10240xi32, #tpu.memory_space<vmem>>)
    %dma_wait3A_161 = tpu.memref_slice %arg4[%multiple_of3A_67] : memref<9830400xf32, #tpu.memory_space<hbm>> -> memref<10240xf32, #tpu.memory_space<hbm>>
    %dma_wait3A_162 = tpu.memref_slice %arg4[%multiple_of3A_67] : memref<9830400xf32, #tpu.memory_space<hbm>> -> memref<10240xf32, #tpu.memory_space<hbm>>
    tpu.wait_dma2 semaphore(%arg22 : memref<!tpu.dma_semaphore, #tpu.memory_space<semaphore_mem>>) src(%arg12 : memref<10240xf32, #tpu.memory_space<vmem>>) dst(%dma_wait3A_162 : memref<10240xf32, #tpu.memory_space<hbm>>)
    %dma_wait3A_163 = tpu.memref_slice %arg4[%multiple_of3A_74] : memref<9830400xf32, #tpu.memory_space<hbm>> -> memref<10240xf32, #tpu.memory_space<hbm>>
    %dma_wait3A_164 = tpu.memref_slice %arg4[%multiple_of3A_74] : memref<9830400xf32, #tpu.memory_space<hbm>> -> memref<10240xf32, #tpu.memory_space<hbm>>
    tpu.wait_dma2 semaphore(%arg22 : memref<!tpu.dma_semaphore, #tpu.memory_space<semaphore_mem>>) src(%arg13 : memref<10240xf32, #tpu.memory_space<vmem>>) dst(%dma_wait3A_164 : memref<10240xf32, #tpu.memory_space<hbm>>)
    %dma_wait3A_165 = tpu.memref_slice %arg4[%multiple_of3A_81] : memref<9830400xf32, #tpu.memory_space<hbm>> -> memref<10240xf32, #tpu.memory_space<hbm>>
    %dma_wait3A_166 = tpu.memref_slice %arg4[%multiple_of3A_81] : memref<9830400xf32, #tpu.memory_space<hbm>> -> memref<10240xf32, #tpu.memory_space<hbm>>
    tpu.wait_dma2 semaphore(%arg22 : memref<!tpu.dma_semaphore, #tpu.memory_space<semaphore_mem>>) src(%arg14 : memref<10240xf32, #tpu.memory_space<vmem>>) dst(%dma_wait3A_166 : memref<10240xf32, #tpu.memory_space<hbm>>)
    %parallel_loop3A_167 = arith.constant 0 : i32
    %parallel_loop3A_168 = arith.constant 640 : i32
    %parallel_loop3A_169 = arith.constant 1 : i32
    %parallel_loop3A_170:6 = scf.for %parallel_loop3A_391 = %parallel_loop3A_167 to %parallel_loop3A_168 step %parallel_loop3A_169 iter_args(%parallel_loop3A_392 = %parallel_loop3A_132#0, %parallel_loop3A_393 = %parallel_loop3A_132#1, %parallel_loop3A_394 = %parallel_loop3A_132#2, %parallel_loop3A_395 = %parallel_loop3A_132#3, %parallel_loop3A_396 = %parallel_loop3A_132#4, %parallel_loop3A_397 = %parallel_loop3A_132#5) -> (vector<16xf32>, vector<16xf32>, vector<16xf32>, vector<16xf32>, vector<16xf32>, vector<16xf32>)  : i32 {
      %parallel_loop3A_398 = arith.constant 16 : i32
      %parallel_loop3A_399 = arith.muli %parallel_loop3A_391, %parallel_loop3A_398 : i32
      %parallel_loop3A_400 = arith.index_cast %parallel_loop3A_399 : i32 to index
      %parallel_loop3A_401 = tpu.vector_load %arg7[%parallel_loop3A_400] {strides = array<i32>} : memref<10240xi32, #tpu.memory_space<vmem>>, vector<16xi32>,
      %parallel_loop3A_402 = arith.constant 0 : i32
      %parallel_loop3A_403 = vector.broadcast %parallel_loop3A_402 : i32 to vector<16xi32>
      %parallel_loop3A_404 = arith.cmpi sgt, %parallel_loop3A_401, %parallel_loop3A_403 : vector<16xi32>
      %parallel_loop3A_405 = arith.select %parallel_loop3A_404, %parallel_loop3A_395, %parallel_loop3A_392 : vector<16xi1>, vector<16xf32>
      %parallel_loop3A_406 = arith.index_cast %parallel_loop3A_399 : i32 to index
      %parallel_loop3A_407 = tpu.vector_load %arg12[%parallel_loop3A_406] {strides = array<i32>} : memref<10240xf32, #tpu.memory_space<vmem>>, vector<16xf32>,
      tpu.vector_store %arg12[%parallel_loop3A_406], %parallel_loop3A_405 {strides = array<i32>} : memref<10240xf32, #tpu.memory_space<vmem>>, vector<16xf32>,
      %parallel_loop3A_408 = arith.select %parallel_loop3A_404, %parallel_loop3A_396, %parallel_loop3A_393 : vector<16xi1>, vector<16xf32>
      %parallel_loop3A_409 = arith.index_cast %parallel_loop3A_399 : i32 to index
      %parallel_loop3A_410 = tpu.vector_load %arg13[%parallel_loop3A_409] {strides = array<i32>} : memref<10240xf32, #tpu.memory_space<vmem>>, vector<16xf32>,
      tpu.vector_store %arg13[%parallel_loop3A_409], %parallel_loop3A_408 {strides = array<i32>} : memref<10240xf32, #tpu.memory_space<vmem>>, vector<16xf32>,
      %parallel_loop3A_411 = arith.select %parallel_loop3A_404, %parallel_loop3A_397, %parallel_loop3A_394 : vector<16xi1>, vector<16xf32>
      %parallel_loop3A_412 = arith.index_cast %parallel_loop3A_399 : i32 to index
      %parallel_loop3A_413 = tpu.vector_load %arg14[%parallel_loop3A_412] {strides = array<i32>} : memref<10240xf32, #tpu.memory_space<vmem>>, vector<16xf32>,
      tpu.vector_store %arg14[%parallel_loop3A_412], %parallel_loop3A_411 {strides = array<i32>} : memref<10240xf32, #tpu.memory_space<vmem>>, vector<16xf32>,
      scf.yield %parallel_loop3A_392, %parallel_loop3A_393, %parallel_loop3A_394, %parallel_loop3A_395, %parallel_loop3A_396, %parallel_loop3A_397 : vector<16xf32>, vector<16xf32>, vector<16xf32>, vector<16xf32>, vector<16xf32>, vector<16xf32>
    } {sc.loop_unroll_factor = 8 : i64, sc.parallel_access}
    %add3A_171 = arith.constant 0 : i32
    %add3A_172 = arith.addi %add3A_171, %mul3A_2 : i32
    %add3A_173 = arith.constant 40960 : i32
    %add3A_174 = arith.addi %add3A_172, %add3A_173 : i32
    %multiple_of3A_175 = tpu.assume_multiple %add3A_174, 8 : i32
    %dma_start3A_176 = tpu.memref_slice %arg4[%multiple_of3A_175] : memref<9830400xf32, #tpu.memory_space<hbm>> -> memref<10240xf32, #tpu.memory_space<hbm>>
    %dma_start3A_177 = tpu.memref_slice %arg4[%multiple_of3A_175] : memref<9830400xf32, #tpu.memory_space<hbm>> -> memref<10240xf32, #tpu.memory_space<hbm>>
    tpu.enqueue_dma source(%arg12 : memref<10240xf32, #tpu.memory_space<vmem>>) target(%dma_start3A_177 : memref<10240xf32, #tpu.memory_space<hbm>>) target_semaphore(%arg22 : memref<!tpu.dma_semaphore, #tpu.memory_space<semaphore_mem>>)
    %add3A_178 = arith.constant 3276800 : i32
    %add3A_179 = arith.addi %add3A_178, %mul3A_2 : i32
    %add3A_180 = arith.constant 40960 : i32
    %add3A_181 = arith.addi %add3A_179, %add3A_180 : i32
    %multiple_of3A_182 = tpu.assume_multiple %add3A_181, 8 : i32
    %dma_start3A_183 = tpu.memref_slice %arg4[%multiple_of3A_182] : memref<9830400xf32, #tpu.memory_space<hbm>> -> memref<10240xf32, #tpu.memory_space<hbm>>
    %dma_start3A_184 = tpu.memref_slice %arg4[%multiple_of3A_182] : memref<9830400xf32, #tpu.memory_space<hbm>> -> memref<10240xf32, #tpu.memory_space<hbm>>
    tpu.enqueue_dma source(%arg13 : memref<10240xf32, #tpu.memory_space<vmem>>) target(%dma_start3A_184 : memref<10240xf32, #tpu.memory_space<hbm>>) target_semaphore(%arg22 : memref<!tpu.dma_semaphore, #tpu.memory_space<semaphore_mem>>)
    %add3A_185 = arith.constant 6553600 : i32
    %add3A_186 = arith.addi %add3A_185, %mul3A_2 : i32
    %add3A_187 = arith.constant 40960 : i32
    %add3A_188 = arith.addi %add3A_186, %add3A_187 : i32
    %multiple_of3A_189 = tpu.assume_multiple %add3A_188, 8 : i32
    %dma_start3A_190 = tpu.memref_slice %arg4[%multiple_of3A_189] : memref<9830400xf32, #tpu.memory_space<hbm>> -> memref<10240xf32, #tpu.memory_space<hbm>>
    %dma_start3A_191 = tpu.memref_slice %arg4[%multiple_of3A_189] : memref<9830400xf32, #tpu.memory_space<hbm>> -> memref<10240xf32, #tpu.memory_space<hbm>>
    tpu.enqueue_dma source(%arg14 : memref<10240xf32, #tpu.memory_space<vmem>>) target(%dma_start3A_191 : memref<10240xf32, #tpu.memory_space<hbm>>) target_semaphore(%arg22 : memref<!tpu.dma_semaphore, #tpu.memory_space<semaphore_mem>>)
    %add3A_192 = arith.constant 71680 : i32
    %add3A_193 = arith.addi %mul3A_2, %add3A_192 : i32
    %multiple_of3A_194 = tpu.assume_multiple %add3A_193, 8 : i32
    %dma_start3A_195 = tpu.memref_slice %arg2[%multiple_of3A_194] : memref<3276800xi32, #tpu.memory_space<hbm>> -> memref<10240xi32, #tpu.memory_space<hbm>>
    %dma_start3A_196 = tpu.memref_slice %arg2[%multiple_of3A_194] : memref<3276800xi32, #tpu.memory_space<hbm>> -> memref<10240xi32, #tpu.memory_space<hbm>>
    tpu.enqueue_dma source(%dma_start3A_196 : memref<10240xi32, #tpu.memory_space<hbm>>) target(%arg7 : memref<10240xi32, #tpu.memory_space<vmem>>) target_semaphore(%arg19 : memref<!tpu.dma_semaphore, #tpu.memory_space<semaphore_mem>>)
    %dma_wait3A_197 = tpu.memref_slice %arg2[%multiple_of3A_118] : memref<3276800xi32, #tpu.memory_space<hbm>> -> memref<10240xi32, #tpu.memory_space<hbm>>
    %dma_wait3A_198 = tpu.memref_slice %arg2[%multiple_of3A_118] : memref<3276800xi32, #tpu.memory_space<hbm>> -> memref<10240xi32, #tpu.memory_space<hbm>>
    tpu.wait_dma2 semaphore(%arg20 : memref<!tpu.dma_semaphore, #tpu.memory_space<semaphore_mem>>) src(%dma_wait3A_198 : memref<10240xi32, #tpu.memory_space<hbm>>) dst(%arg8 : memref<10240xi32, #tpu.memory_space<vmem>>)
    %dma_wait3A_199 = tpu.memref_slice %arg4[%multiple_of3A_99] : memref<9830400xf32, #tpu.memory_space<hbm>> -> memref<10240xf32, #tpu.memory_space<hbm>>
    %dma_wait3A_200 = tpu.memref_slice %arg4[%multiple_of3A_99] : memref<9830400xf32, #tpu.memory_space<hbm>> -> memref<10240xf32, #tpu.memory_space<hbm>>
    tpu.wait_dma2 semaphore(%arg23 : memref<!tpu.dma_semaphore, #tpu.memory_space<semaphore_mem>>) src(%arg15 : memref<10240xf32, #tpu.memory_space<vmem>>) dst(%dma_wait3A_200 : memref<10240xf32, #tpu.memory_space<hbm>>)
    %dma_wait3A_201 = tpu.memref_slice %arg4[%multiple_of3A_106] : memref<9830400xf32, #tpu.memory_space<hbm>> -> memref<10240xf32, #tpu.memory_space<hbm>>
    %dma_wait3A_202 = tpu.memref_slice %arg4[%multiple_of3A_106] : memref<9830400xf32, #tpu.memory_space<hbm>> -> memref<10240xf32, #tpu.memory_space<hbm>>
    tpu.wait_dma2 semaphore(%arg23 : memref<!tpu.dma_semaphore, #tpu.memory_space<semaphore_mem>>) src(%arg16 : memref<10240xf32, #tpu.memory_space<vmem>>) dst(%dma_wait3A_202 : memref<10240xf32, #tpu.memory_space<hbm>>)
    %dma_wait3A_203 = tpu.memref_slice %arg4[%multiple_of3A_113] : memref<9830400xf32, #tpu.memory_space<hbm>> -> memref<10240xf32, #tpu.memory_space<hbm>>
    %dma_wait3A_204 = tpu.memref_slice %arg4[%multiple_of3A_113] : memref<9830400xf32, #tpu.memory_space<hbm>> -> memref<10240xf32, #tpu.memory_space<hbm>>
    tpu.wait_dma2 semaphore(%arg23 : memref<!tpu.dma_semaphore, #tpu.memory_space<semaphore_mem>>) src(%arg17 : memref<10240xf32, #tpu.memory_space<vmem>>) dst(%dma_wait3A_204 : memref<10240xf32, #tpu.memory_space<hbm>>)
    %parallel_loop3A_205 = arith.constant 0 : i32
    %parallel_loop3A_206 = arith.constant 640 : i32
    %parallel_loop3A_207 = arith.constant 1 : i32
    %parallel_loop3A_208:6 = scf.for %parallel_loop3A_391 = %parallel_loop3A_205 to %parallel_loop3A_206 step %parallel_loop3A_207 iter_args(%parallel_loop3A_392 = %parallel_loop3A_170#0, %parallel_loop3A_393 = %parallel_loop3A_170#1, %parallel_loop3A_394 = %parallel_loop3A_170#2, %parallel_loop3A_395 = %parallel_loop3A_170#3, %parallel_loop3A_396 = %parallel_loop3A_170#4, %parallel_loop3A_397 = %parallel_loop3A_170#5) -> (vector<16xf32>, vector<16xf32>, vector<16xf32>, vector<16xf32>, vector<16xf32>, vector<16xf32>)  : i32 {
      %parallel_loop3A_398 = arith.constant 16 : i32
      %parallel_loop3A_399 = arith.muli %parallel_loop3A_391, %parallel_loop3A_398 : i32
      %parallel_loop3A_400 = arith.index_cast %parallel_loop3A_399 : i32 to index
      %parallel_loop3A_401 = tpu.vector_load %arg8[%parallel_loop3A_400] {strides = array<i32>} : memref<10240xi32, #tpu.memory_space<vmem>>, vector<16xi32>,
      %parallel_loop3A_402 = arith.constant 0 : i32
      %parallel_loop3A_403 = vector.broadcast %parallel_loop3A_402 : i32 to vector<16xi32>
      %parallel_loop3A_404 = arith.cmpi sgt, %parallel_loop3A_401, %parallel_loop3A_403 : vector<16xi32>
      %parallel_loop3A_405 = arith.select %parallel_loop3A_404, %parallel_loop3A_395, %parallel_loop3A_392 : vector<16xi1>, vector<16xf32>
      %parallel_loop3A_406 = arith.index_cast %parallel_loop3A_399 : i32 to index
      %parallel_loop3A_407 = tpu.vector_load %arg15[%parallel_loop3A_406] {strides = array<i32>} : memref<10240xf32, #tpu.memory_space<vmem>>, vector<16xf32>,
      tpu.vector_store %arg15[%parallel_loop3A_406], %parallel_loop3A_405 {strides = array<i32>} : memref<10240xf32, #tpu.memory_space<vmem>>, vector<16xf32>,
      %parallel_loop3A_408 = arith.select %parallel_loop3A_404, %parallel_loop3A_396, %parallel_loop3A_393 : vector<16xi1>, vector<16xf32>
      %parallel_loop3A_409 = arith.index_cast %parallel_loop3A_399 : i32 to index
      %parallel_loop3A_410 = tpu.vector_load %arg16[%parallel_loop3A_409] {strides = array<i32>} : memref<10240xf32, #tpu.memory_space<vmem>>, vector<16xf32>,
      tpu.vector_store %arg16[%parallel_loop3A_409], %parallel_loop3A_408 {strides = array<i32>} : memref<10240xf32, #tpu.memory_space<vmem>>, vector<16xf32>,
      %parallel_loop3A_411 = arith.select %parallel_loop3A_404, %parallel_loop3A_397, %parallel_loop3A_394 : vector<16xi1>, vector<16xf32>
      %parallel_loop3A_412 = arith.index_cast %parallel_loop3A_399 : i32 to index
      %parallel_loop3A_413 = tpu.vector_load %arg17[%parallel_loop3A_412] {strides = array<i32>} : memref<10240xf32, #tpu.memory_space<vmem>>, vector<16xf32>,
      tpu.vector_store %arg17[%parallel_loop3A_412], %parallel_loop3A_411 {strides = array<i32>} : memref<10240xf32, #tpu.memory_space<vmem>>, vector<16xf32>,
      scf.yield %parallel_loop3A_392, %parallel_loop3A_393, %parallel_loop3A_394, %parallel_loop3A_395, %parallel_loop3A_396, %parallel_loop3A_397 : vector<16xf32>, vector<16xf32>, vector<16xf32>, vector<16xf32>, vector<16xf32>, vector<16xf32>
    } {sc.loop_unroll_factor = 8 : i64, sc.parallel_access}
    %add3A_209 = arith.constant 0 : i32
    %add3A_210 = arith.addi %add3A_209, %mul3A_2 : i32
    %add3A_211 = arith.constant 51200 : i32
    %add3A_212 = arith.addi %add3A_210, %add3A_211 : i32
    %multiple_of3A_213 = tpu.assume_multiple %add3A_212, 8 : i32
    %dma_start3A_214 = tpu.memref_slice %arg4[%multiple_of3A_213] : memref<9830400xf32, #tpu.memory_space<hbm>> -> memref<10240xf32, #tpu.memory_space<hbm>>
    %dma_start3A_215 = tpu.memref_slice %arg4[%multiple_of3A_213] : memref<9830400xf32, #tpu.memory_space<hbm>> -> memref<10240xf32, #tpu.memory_space<hbm>>
    tpu.enqueue_dma source(%arg15 : memref<10240xf32, #tpu.memory_space<vmem>>) target(%dma_start3A_215 : memref<10240xf32, #tpu.memory_space<hbm>>) target_semaphore(%arg23 : memref<!tpu.dma_semaphore, #tpu.memory_space<semaphore_mem>>)
    %add3A_216 = arith.constant 3276800 : i32
    %add3A_217 = arith.addi %add3A_216, %mul3A_2 : i32
    %add3A_218 = arith.constant 51200 : i32
    %add3A_219 = arith.addi %add3A_217, %add3A_218 : i32
    %multiple_of3A_220 = tpu.assume_multiple %add3A_219, 8 : i32
    %dma_start3A_221 = tpu.memref_slice %arg4[%multiple_of3A_220] : memref<9830400xf32, #tpu.memory_space<hbm>> -> memref<10240xf32, #tpu.memory_space<hbm>>
    %dma_start3A_222 = tpu.memref_slice %arg4[%multiple_of3A_220] : memref<9830400xf32, #tpu.memory_space<hbm>> -> memref<10240xf32, #tpu.memory_space<hbm>>
    tpu.enqueue_dma source(%arg16 : memref<10240xf32, #tpu.memory_space<vmem>>) target(%dma_start3A_222 : memref<10240xf32, #tpu.memory_space<hbm>>) target_semaphore(%arg23 : memref<!tpu.dma_semaphore, #tpu.memory_space<semaphore_mem>>)
    %add3A_223 = arith.constant 6553600 : i32
    %add3A_224 = arith.addi %add3A_223, %mul3A_2 : i32
    %add3A_225 = arith.constant 51200 : i32
    %add3A_226 = arith.addi %add3A_224, %add3A_225 : i32
    %multiple_of3A_227 = tpu.assume_multiple %add3A_226, 8 : i32
    %dma_start3A_228 = tpu.memref_slice %arg4[%multiple_of3A_227] : memref<9830400xf32, #tpu.memory_space<hbm>> -> memref<10240xf32, #tpu.memory_space<hbm>>
    %dma_start3A_229 = tpu.memref_slice %arg4[%multiple_of3A_227] : memref<9830400xf32, #tpu.memory_space<hbm>> -> memref<10240xf32, #tpu.memory_space<hbm>>
    tpu.enqueue_dma source(%arg17 : memref<10240xf32, #tpu.memory_space<vmem>>) target(%dma_start3A_229 : memref<10240xf32, #tpu.memory_space<hbm>>) target_semaphore(%arg23 : memref<!tpu.dma_semaphore, #tpu.memory_space<semaphore_mem>>)
    %add3A_230 = arith.constant 81920 : i32
    %add3A_231 = arith.addi %mul3A_2, %add3A_230 : i32
    %multiple_of3A_232 = tpu.assume_multiple %add3A_231, 8 : i32
    %dma_start3A_233 = tpu.memref_slice %arg2[%multiple_of3A_232] : memref<3276800xi32, #tpu.memory_space<hbm>> -> memref<10240xi32, #tpu.memory_space<hbm>>
    %dma_start3A_234 = tpu.memref_slice %arg2[%multiple_of3A_232] : memref<3276800xi32, #tpu.memory_space<hbm>> -> memref<10240xi32, #tpu.memory_space<hbm>>
    tpu.enqueue_dma source(%dma_start3A_234 : memref<10240xi32, #tpu.memory_space<hbm>>) target(%arg8 : memref<10240xi32, #tpu.memory_space<vmem>>) target_semaphore(%arg20 : memref<!tpu.dma_semaphore, #tpu.memory_space<semaphore_mem>>)
    %dma_wait3A_235 = tpu.memref_slice %arg2[%multiple_of3A_156] : memref<3276800xi32, #tpu.memory_space<hbm>> -> memref<10240xi32, #tpu.memory_space<hbm>>
    %dma_wait3A_236 = tpu.memref_slice %arg2[%multiple_of3A_156] : memref<3276800xi32, #tpu.memory_space<hbm>> -> memref<10240xi32, #tpu.memory_space<hbm>>
    tpu.wait_dma2 semaphore(%arg18 : memref<!tpu.dma_semaphore, #tpu.memory_space<semaphore_mem>>) src(%dma_wait3A_236 : memref<10240xi32, #tpu.memory_space<hbm>>) dst(%arg6 : memref<10240xi32, #tpu.memory_space<vmem>>)
    %dma_wait3A_237 = tpu.memref_slice %arg4[%multiple_of3A_137] : memref<9830400xf32, #tpu.memory_space<hbm>> -> memref<10240xf32, #tpu.memory_space<hbm>>
    %dma_wait3A_238 = tpu.memref_slice %arg4[%multiple_of3A_137] : memref<9830400xf32, #tpu.memory_space<hbm>> -> memref<10240xf32, #tpu.memory_space<hbm>>
    tpu.wait_dma2 semaphore(%arg21 : memref<!tpu.dma_semaphore, #tpu.memory_space<semaphore_mem>>) src(%arg9 : memref<10240xf32, #tpu.memory_space<vmem>>) dst(%dma_wait3A_238 : memref<10240xf32, #tpu.memory_space<hbm>>)
    %dma_wait3A_239 = tpu.memref_slice %arg4[%multiple_of3A_144] : memref<9830400xf32, #tpu.memory_space<hbm>> -> memref<10240xf32, #tpu.memory_space<hbm>>
    %dma_wait3A_240 = tpu.memref_slice %arg4[%multiple_of3A_144] : memref<9830400xf32, #tpu.memory_space<hbm>> -> memref<10240xf32, #tpu.memory_space<hbm>>
    tpu.wait_dma2 semaphore(%arg21 : memref<!tpu.dma_semaphore, #tpu.memory_space<semaphore_mem>>) src(%arg10 : memref<10240xf32, #tpu.memory_space<vmem>>) dst(%dma_wait3A_240 : memref<10240xf32, #tpu.memory_space<hbm>>)
    %dma_wait3A_241 = tpu.memref_slice %arg4[%multiple_of3A_151] : memref<9830400xf32, #tpu.memory_space<hbm>> -> memref<10240xf32, #tpu.memory_space<hbm>>
    %dma_wait3A_242 = tpu.memref_slice %arg4[%multiple_of3A_151] : memref<9830400xf32, #tpu.memory_space<hbm>> -> memref<10240xf32, #tpu.memory_space<hbm>>
    tpu.wait_dma2 semaphore(%arg21 : memref<!tpu.dma_semaphore, #tpu.memory_space<semaphore_mem>>) src(%arg11 : memref<10240xf32, #tpu.memory_space<vmem>>) dst(%dma_wait3A_242 : memref<10240xf32, #tpu.memory_space<hbm>>)
    %parallel_loop3A_243 = arith.constant 0 : i32
    %parallel_loop3A_244 = arith.constant 640 : i32
    %parallel_loop3A_245 = arith.constant 1 : i32
    %parallel_loop3A_246:6 = scf.for %parallel_loop3A_391 = %parallel_loop3A_243 to %parallel_loop3A_244 step %parallel_loop3A_245 iter_args(%parallel_loop3A_392 = %parallel_loop3A_208#0, %parallel_loop3A_393 = %parallel_loop3A_208#1, %parallel_loop3A_394 = %parallel_loop3A_208#2, %parallel_loop3A_395 = %parallel_loop3A_208#3, %parallel_loop3A_396 = %parallel_loop3A_208#4, %parallel_loop3A_397 = %parallel_loop3A_208#5) -> (vector<16xf32>, vector<16xf32>, vector<16xf32>, vector<16xf32>, vector<16xf32>, vector<16xf32>)  : i32 {
      %parallel_loop3A_398 = arith.constant 16 : i32
      %parallel_loop3A_399 = arith.muli %parallel_loop3A_391, %parallel_loop3A_398 : i32
      %parallel_loop3A_400 = arith.index_cast %parallel_loop3A_399 : i32 to index
      %parallel_loop3A_401 = tpu.vector_load %arg6[%parallel_loop3A_400] {strides = array<i32>} : memref<10240xi32, #tpu.memory_space<vmem>>, vector<16xi32>,
      %parallel_loop3A_402 = arith.constant 0 : i32
      %parallel_loop3A_403 = vector.broadcast %parallel_loop3A_402 : i32 to vector<16xi32>
      %parallel_loop3A_404 = arith.cmpi sgt, %parallel_loop3A_401, %parallel_loop3A_403 : vector<16xi32>
      %parallel_loop3A_405 = arith.select %parallel_loop3A_404, %parallel_loop3A_395, %parallel_loop3A_392 : vector<16xi1>, vector<16xf32>
      %parallel_loop3A_406 = arith.index_cast %parallel_loop3A_399 : i32 to index
      %parallel_loop3A_407 = tpu.vector_load %arg9[%parallel_loop3A_406] {strides = array<i32>} : memref<10240xf32, #tpu.memory_space<vmem>>, vector<16xf32>,
      tpu.vector_store %arg9[%parallel_loop3A_406], %parallel_loop3A_405 {strides = array<i32>} : memref<10240xf32, #tpu.memory_space<vmem>>, vector<16xf32>,
      %parallel_loop3A_408 = arith.select %parallel_loop3A_404, %parallel_loop3A_396, %parallel_loop3A_393 : vector<16xi1>, vector<16xf32>
      %parallel_loop3A_409 = arith.index_cast %parallel_loop3A_399 : i32 to index
      %parallel_loop3A_410 = tpu.vector_load %arg10[%parallel_loop3A_409] {strides = array<i32>} : memref<10240xf32, #tpu.memory_space<vmem>>, vector<16xf32>,
      tpu.vector_store %arg10[%parallel_loop3A_409], %parallel_loop3A_408 {strides = array<i32>} : memref<10240xf32, #tpu.memory_space<vmem>>, vector<16xf32>,
      %parallel_loop3A_411 = arith.select %parallel_loop3A_404, %parallel_loop3A_397, %parallel_loop3A_394 : vector<16xi1>, vector<16xf32>
      %parallel_loop3A_412 = arith.index_cast %parallel_loop3A_399 : i32 to index
      %parallel_loop3A_413 = tpu.vector_load %arg11[%parallel_loop3A_412] {strides = array<i32>} : memref<10240xf32, #tpu.memory_space<vmem>>, vector<16xf32>,
      tpu.vector_store %arg11[%parallel_loop3A_412], %parallel_loop3A_411 {strides = array<i32>} : memref<10240xf32, #tpu.memory_space<vmem>>, vector<16xf32>,
      scf.yield %parallel_loop3A_392, %parallel_loop3A_393, %parallel_loop3A_394, %parallel_loop3A_395, %parallel_loop3A_396, %parallel_loop3A_397 : vector<16xf32>, vector<16xf32>, vector<16xf32>, vector<16xf32>, vector<16xf32>, vector<16xf32>
    } {sc.loop_unroll_factor = 8 : i64, sc.parallel_access}
    %add3A_247 = arith.constant 0 : i32
    %add3A_248 = arith.addi %add3A_247, %mul3A_2 : i32
    %add3A_249 = arith.constant 61440 : i32
    %add3A_250 = arith.addi %add3A_248, %add3A_249 : i32
    %multiple_of3A_251 = tpu.assume_multiple %add3A_250, 8 : i32
    %dma_start3A_252 = tpu.memref_slice %arg4[%multiple_of3A_251] : memref<9830400xf32, #tpu.memory_space<hbm>> -> memref<10240xf32, #tpu.memory_space<hbm>>
    %dma_start3A_253 = tpu.memref_slice %arg4[%multiple_of3A_251] : memref<9830400xf32, #tpu.memory_space<hbm>> -> memref<10240xf32, #tpu.memory_space<hbm>>
    tpu.enqueue_dma source(%arg9 : memref<10240xf32, #tpu.memory_space<vmem>>) target(%dma_start3A_253 : memref<10240xf32, #tpu.memory_space<hbm>>) target_semaphore(%arg21 : memref<!tpu.dma_semaphore, #tpu.memory_space<semaphore_mem>>)
    %add3A_254 = arith.constant 3276800 : i32
    %add3A_255 = arith.addi %add3A_254, %mul3A_2 : i32
    %add3A_256 = arith.constant 61440 : i32
    %add3A_257 = arith.addi %add3A_255, %add3A_256 : i32
    %multiple_of3A_258 = tpu.assume_multiple %add3A_257, 8 : i32
    %dma_start3A_259 = tpu.memref_slice %arg4[%multiple_of3A_258] : memref<9830400xf32, #tpu.memory_space<hbm>> -> memref<10240xf32, #tpu.memory_space<hbm>>
    %dma_start3A_260 = tpu.memref_slice %arg4[%multiple_of3A_258] : memref<9830400xf32, #tpu.memory_space<hbm>> -> memref<10240xf32, #tpu.memory_space<hbm>>
    tpu.enqueue_dma source(%arg10 : memref<10240xf32, #tpu.memory_space<vmem>>) target(%dma_start3A_260 : memref<10240xf32, #tpu.memory_space<hbm>>) target_semaphore(%arg21 : memref<!tpu.dma_semaphore, #tpu.memory_space<semaphore_mem>>)
    %add3A_261 = arith.constant 6553600 : i32
    %add3A_262 = arith.addi %add3A_261, %mul3A_2 : i32
    %add3A_263 = arith.constant 61440 : i32
    %add3A_264 = arith.addi %add3A_262, %add3A_263 : i32
    %multiple_of3A_265 = tpu.assume_multiple %add3A_264, 8 : i32
    %dma_start3A_266 = tpu.memref_slice %arg4[%multiple_of3A_265] : memref<9830400xf32, #tpu.memory_space<hbm>> -> memref<10240xf32, #tpu.memory_space<hbm>>
    %dma_start3A_267 = tpu.memref_slice %arg4[%multiple_of3A_265] : memref<9830400xf32, #tpu.memory_space<hbm>> -> memref<10240xf32, #tpu.memory_space<hbm>>
    tpu.enqueue_dma source(%arg11 : memref<10240xf32, #tpu.memory_space<vmem>>) target(%dma_start3A_267 : memref<10240xf32, #tpu.memory_space<hbm>>) target_semaphore(%arg21 : memref<!tpu.dma_semaphore, #tpu.memory_space<semaphore_mem>>)
    %add3A_268 = arith.constant 92160 : i32
    %add3A_269 = arith.addi %mul3A_2, %add3A_268 : i32
    %multiple_of3A_270 = tpu.assume_multiple %add3A_269, 8 : i32
    %dma_start3A_271 = tpu.memref_slice %arg2[%multiple_of3A_270] : memref<3276800xi32, #tpu.memory_space<hbm>> -> memref<10240xi32, #tpu.memory_space<hbm>>
    %dma_start3A_272 = tpu.memref_slice %arg2[%multiple_of3A_270] : memref<3276800xi32, #tpu.memory_space<hbm>> -> memref<10240xi32, #tpu.memory_space<hbm>>
    tpu.enqueue_dma source(%dma_start3A_272 : memref<10240xi32, #tpu.memory_space<hbm>>) target(%arg6 : memref<10240xi32, #tpu.memory_space<vmem>>) target_semaphore(%arg18 : memref<!tpu.dma_semaphore, #tpu.memory_space<semaphore_mem>>)
    %dma_wait3A_273 = tpu.memref_slice %arg2[%multiple_of3A_194] : memref<3276800xi32, #tpu.memory_space<hbm>> -> memref<10240xi32, #tpu.memory_space<hbm>>
    %dma_wait3A_274 = tpu.memref_slice %arg2[%multiple_of3A_194] : memref<3276800xi32, #tpu.memory_space<hbm>> -> memref<10240xi32, #tpu.memory_space<hbm>>
    tpu.wait_dma2 semaphore(%arg19 : memref<!tpu.dma_semaphore, #tpu.memory_space<semaphore_mem>>) src(%dma_wait3A_274 : memref<10240xi32, #tpu.memory_space<hbm>>) dst(%arg7 : memref<10240xi32, #tpu.memory_space<vmem>>)
    %dma_wait3A_275 = tpu.memref_slice %arg4[%multiple_of3A_175] : memref<9830400xf32, #tpu.memory_space<hbm>> -> memref<10240xf32, #tpu.memory_space<hbm>>
    %dma_wait3A_276 = tpu.memref_slice %arg4[%multiple_of3A_175] : memref<9830400xf32, #tpu.memory_space<hbm>> -> memref<10240xf32, #tpu.memory_space<hbm>>
    tpu.wait_dma2 semaphore(%arg22 : memref<!tpu.dma_semaphore, #tpu.memory_space<semaphore_mem>>) src(%arg12 : memref<10240xf32, #tpu.memory_space<vmem>>) dst(%dma_wait3A_276 : memref<10240xf32, #tpu.memory_space<hbm>>)
    %dma_wait3A_277 = tpu.memref_slice %arg4[%multiple_of3A_182] : memref<9830400xf32, #tpu.memory_space<hbm>> -> memref<10240xf32, #tpu.memory_space<hbm>>
    %dma_wait3A_278 = tpu.memref_slice %arg4[%multiple_of3A_182] : memref<9830400xf32, #tpu.memory_space<hbm>> -> memref<10240xf32, #tpu.memory_space<hbm>>
    tpu.wait_dma2 semaphore(%arg22 : memref<!tpu.dma_semaphore, #tpu.memory_space<semaphore_mem>>) src(%arg13 : memref<10240xf32, #tpu.memory_space<vmem>>) dst(%dma_wait3A_278 : memref<10240xf32, #tpu.memory_space<hbm>>)
    %dma_wait3A_279 = tpu.memref_slice %arg4[%multiple_of3A_189] : memref<9830400xf32, #tpu.memory_space<hbm>> -> memref<10240xf32, #tpu.memory_space<hbm>>
    %dma_wait3A_280 = tpu.memref_slice %arg4[%multiple_of3A_189] : memref<9830400xf32, #tpu.memory_space<hbm>> -> memref<10240xf32, #tpu.memory_space<hbm>>
    tpu.wait_dma2 semaphore(%arg22 : memref<!tpu.dma_semaphore, #tpu.memory_space<semaphore_mem>>) src(%arg14 : memref<10240xf32, #tpu.memory_space<vmem>>) dst(%dma_wait3A_280 : memref<10240xf32, #tpu.memory_space<hbm>>)
    %parallel_loop3A_281 = arith.constant 0 : i32
    %parallel_loop3A_282 = arith.constant 640 : i32
    %parallel_loop3A_283 = arith.constant 1 : i32
    %parallel_loop3A_284:6 = scf.for %parallel_loop3A_391 = %parallel_loop3A_281 to %parallel_loop3A_282 step %parallel_loop3A_283 iter_args(%parallel_loop3A_392 = %parallel_loop3A_246#0, %parallel_loop3A_393 = %parallel_loop3A_246#1, %parallel_loop3A_394 = %parallel_loop3A_246#2, %parallel_loop3A_395 = %parallel_loop3A_246#3, %parallel_loop3A_396 = %parallel_loop3A_246#4, %parallel_loop3A_397 = %parallel_loop3A_246#5) -> (vector<16xf32>, vector<16xf32>, vector<16xf32>, vector<16xf32>, vector<16xf32>, vector<16xf32>)  : i32 {
      %parallel_loop3A_398 = arith.constant 16 : i32
      %parallel_loop3A_399 = arith.muli %parallel_loop3A_391, %parallel_loop3A_398 : i32
      %parallel_loop3A_400 = arith.index_cast %parallel_loop3A_399 : i32 to index
      %parallel_loop3A_401 = tpu.vector_load %arg7[%parallel_loop3A_400] {strides = array<i32>} : memref<10240xi32, #tpu.memory_space<vmem>>, vector<16xi32>,
      %parallel_loop3A_402 = arith.constant 0 : i32
      %parallel_loop3A_403 = vector.broadcast %parallel_loop3A_402 : i32 to vector<16xi32>
      %parallel_loop3A_404 = arith.cmpi sgt, %parallel_loop3A_401, %parallel_loop3A_403 : vector<16xi32>
      %parallel_loop3A_405 = arith.select %parallel_loop3A_404, %parallel_loop3A_395, %parallel_loop3A_392 : vector<16xi1>, vector<16xf32>
      %parallel_loop3A_406 = arith.index_cast %parallel_loop3A_399 : i32 to index
      %parallel_loop3A_407 = tpu.vector_load %arg12[%parallel_loop3A_406] {strides = array<i32>} : memref<10240xf32, #tpu.memory_space<vmem>>, vector<16xf32>,
      tpu.vector_store %arg12[%parallel_loop3A_406], %parallel_loop3A_405 {strides = array<i32>} : memref<10240xf32, #tpu.memory_space<vmem>>, vector<16xf32>,
      %parallel_loop3A_408 = arith.select %parallel_loop3A_404, %parallel_loop3A_396, %parallel_loop3A_393 : vector<16xi1>, vector<16xf32>
      %parallel_loop3A_409 = arith.index_cast %parallel_loop3A_399 : i32 to index
      %parallel_loop3A_410 = tpu.vector_load %arg13[%parallel_loop3A_409] {strides = array<i32>} : memref<10240xf32, #tpu.memory_space<vmem>>, vector<16xf32>,
      tpu.vector_store %arg13[%parallel_loop3A_409], %parallel_loop3A_408 {strides = array<i32>} : memref<10240xf32, #tpu.memory_space<vmem>>, vector<16xf32>,
      %parallel_loop3A_411 = arith.select %parallel_loop3A_404, %parallel_loop3A_397, %parallel_loop3A_394 : vector<16xi1>, vector<16xf32>
      %parallel_loop3A_412 = arith.index_cast %parallel_loop3A_399 : i32 to index
      %parallel_loop3A_413 = tpu.vector_load %arg14[%parallel_loop3A_412] {strides = array<i32>} : memref<10240xf32, #tpu.memory_space<vmem>>, vector<16xf32>,
      tpu.vector_store %arg14[%parallel_loop3A_412], %parallel_loop3A_411 {strides = array<i32>} : memref<10240xf32, #tpu.memory_space<vmem>>, vector<16xf32>,
      scf.yield %parallel_loop3A_392, %parallel_loop3A_393, %parallel_loop3A_394, %parallel_loop3A_395, %parallel_loop3A_396, %parallel_loop3A_397 : vector<16xf32>, vector<16xf32>, vector<16xf32>, vector<16xf32>, vector<16xf32>, vector<16xf32>
    } {sc.loop_unroll_factor = 8 : i64, sc.parallel_access}
    %add3A_285 = arith.constant 0 : i32
    %add3A_286 = arith.addi %add3A_285, %mul3A_2 : i32
    %add3A_287 = arith.constant 71680 : i32
    %add3A_288 = arith.addi %add3A_286, %add3A_287 : i32
    %multiple_of3A_289 = tpu.assume_multiple %add3A_288, 8 : i32
    %dma_start3A_290 = tpu.memref_slice %arg4[%multiple_of3A_289] : memref<9830400xf32, #tpu.memory_space<hbm>> -> memref<10240xf32, #tpu.memory_space<hbm>>
    %dma_start3A_291 = tpu.memref_slice %arg4[%multiple_of3A_289] : memref<9830400xf32, #tpu.memory_space<hbm>> -> memref<10240xf32, #tpu.memory_space<hbm>>
    tpu.enqueue_dma source(%arg12 : memref<10240xf32, #tpu.memory_space<vmem>>) target(%dma_start3A_291 : memref<10240xf32, #tpu.memory_space<hbm>>) target_semaphore(%arg22 : memref<!tpu.dma_semaphore, #tpu.memory_space<semaphore_mem>>)
    %add3A_292 = arith.constant 3276800 : i32
    %add3A_293 = arith.addi %add3A_292, %mul3A_2 : i32
    %add3A_294 = arith.constant 71680 : i32
    %add3A_295 = arith.addi %add3A_293, %add3A_294 : i32
    %multiple_of3A_296 = tpu.assume_multiple %add3A_295, 8 : i32
    %dma_start3A_297 = tpu.memref_slice %arg4[%multiple_of3A_296] : memref<9830400xf32, #tpu.memory_space<hbm>> -> memref<10240xf32, #tpu.memory_space<hbm>>
    %dma_start3A_298 = tpu.memref_slice %arg4[%multiple_of3A_296] : memref<9830400xf32, #tpu.memory_space<hbm>> -> memref<10240xf32, #tpu.memory_space<hbm>>
    tpu.enqueue_dma source(%arg13 : memref<10240xf32, #tpu.memory_space<vmem>>) target(%dma_start3A_298 : memref<10240xf32, #tpu.memory_space<hbm>>) target_semaphore(%arg22 : memref<!tpu.dma_semaphore, #tpu.memory_space<semaphore_mem>>)
    %add3A_299 = arith.constant 6553600 : i32
    %add3A_300 = arith.addi %add3A_299, %mul3A_2 : i32
    %add3A_301 = arith.constant 71680 : i32
    %add3A_302 = arith.addi %add3A_300, %add3A_301 : i32
    %multiple_of3A_303 = tpu.assume_multiple %add3A_302, 8 : i32
    %dma_start3A_304 = tpu.memref_slice %arg4[%multiple_of3A_303] : memref<9830400xf32, #tpu.memory_space<hbm>> -> memref<10240xf32, #tpu.memory_space<hbm>>
    %dma_start3A_305 = tpu.memref_slice %arg4[%multiple_of3A_303] : memref<9830400xf32, #tpu.memory_space<hbm>> -> memref<10240xf32, #tpu.memory_space<hbm>>
    tpu.enqueue_dma source(%arg14 : memref<10240xf32, #tpu.memory_space<vmem>>) target(%dma_start3A_305 : memref<10240xf32, #tpu.memory_space<hbm>>) target_semaphore(%arg22 : memref<!tpu.dma_semaphore, #tpu.memory_space<semaphore_mem>>)
    %dma_wait3A_306 = tpu.memref_slice %arg2[%multiple_of3A_232] : memref<3276800xi32, #tpu.memory_space<hbm>> -> memref<10240xi32, #tpu.memory_space<hbm>>
    %dma_wait3A_307 = tpu.memref_slice %arg2[%multiple_of3A_232] : memref<3276800xi32, #tpu.memory_space<hbm>> -> memref<10240xi32, #tpu.memory_space<hbm>>
    tpu.wait_dma2 semaphore(%arg20 : memref<!tpu.dma_semaphore, #tpu.memory_space<semaphore_mem>>) src(%dma_wait3A_307 : memref<10240xi32, #tpu.memory_space<hbm>>) dst(%arg8 : memref<10240xi32, #tpu.memory_space<vmem>>)
    %dma_wait3A_308 = tpu.memref_slice %arg4[%multiple_of3A_213] : memref<9830400xf32, #tpu.memory_space<hbm>> -> memref<10240xf32, #tpu.memory_space<hbm>>
    %dma_wait3A_309 = tpu.memref_slice %arg4[%multiple_of3A_213] : memref<9830400xf32, #tpu.memory_space<hbm>> -> memref<10240xf32, #tpu.memory_space<hbm>>
    tpu.wait_dma2 semaphore(%arg23 : memref<!tpu.dma_semaphore, #tpu.memory_space<semaphore_mem>>) src(%arg15 : memref<10240xf32, #tpu.memory_space<vmem>>) dst(%dma_wait3A_309 : memref<10240xf32, #tpu.memory_space<hbm>>)
    %dma_wait3A_310 = tpu.memref_slice %arg4[%multiple_of3A_220] : memref<9830400xf32, #tpu.memory_space<hbm>> -> memref<10240xf32, #tpu.memory_space<hbm>>
    %dma_wait3A_311 = tpu.memref_slice %arg4[%multiple_of3A_220] : memref<9830400xf32, #tpu.memory_space<hbm>> -> memref<10240xf32, #tpu.memory_space<hbm>>
    tpu.wait_dma2 semaphore(%arg23 : memref<!tpu.dma_semaphore, #tpu.memory_space<semaphore_mem>>) src(%arg16 : memref<10240xf32, #tpu.memory_space<vmem>>) dst(%dma_wait3A_311 : memref<10240xf32, #tpu.memory_space<hbm>>)
    %dma_wait3A_312 = tpu.memref_slice %arg4[%multiple_of3A_227] : memref<9830400xf32, #tpu.memory_space<hbm>> -> memref<10240xf32, #tpu.memory_space<hbm>>
    %dma_wait3A_313 = tpu.memref_slice %arg4[%multiple_of3A_227] : memref<9830400xf32, #tpu.memory_space<hbm>> -> memref<10240xf32, #tpu.memory_space<hbm>>
    tpu.wait_dma2 semaphore(%arg23 : memref<!tpu.dma_semaphore, #tpu.memory_space<semaphore_mem>>) src(%arg17 : memref<10240xf32, #tpu.memory_space<vmem>>) dst(%dma_wait3A_313 : memref<10240xf32, #tpu.memory_space<hbm>>)
    %parallel_loop3A_314 = arith.constant 0 : i32
    %parallel_loop3A_315 = arith.constant 640 : i32
    %parallel_loop3A_316 = arith.constant 1 : i32
    %parallel_loop3A_317:6 = scf.for %parallel_loop3A_391 = %parallel_loop3A_314 to %parallel_loop3A_315 step %parallel_loop3A_316 iter_args(%parallel_loop3A_392 = %parallel_loop3A_284#0, %parallel_loop3A_393 = %parallel_loop3A_284#1, %parallel_loop3A_394 = %parallel_loop3A_284#2, %parallel_loop3A_395 = %parallel_loop3A_284#3, %parallel_loop3A_396 = %parallel_loop3A_284#4, %parallel_loop3A_397 = %parallel_loop3A_284#5) -> (vector<16xf32>, vector<16xf32>, vector<16xf32>, vector<16xf32>, vector<16xf32>, vector<16xf32>)  : i32 {
      %parallel_loop3A_398 = arith.constant 16 : i32
      %parallel_loop3A_399 = arith.muli %parallel_loop3A_391, %parallel_loop3A_398 : i32
      %parallel_loop3A_400 = arith.index_cast %parallel_loop3A_399 : i32 to index
      %parallel_loop3A_401 = tpu.vector_load %arg8[%parallel_loop3A_400] {strides = array<i32>} : memref<10240xi32, #tpu.memory_space<vmem>>, vector<16xi32>,
      %parallel_loop3A_402 = arith.constant 0 : i32
      %parallel_loop3A_403 = vector.broadcast %parallel_loop3A_402 : i32 to vector<16xi32>
      %parallel_loop3A_404 = arith.cmpi sgt, %parallel_loop3A_401, %parallel_loop3A_403 : vector<16xi32>
      %parallel_loop3A_405 = arith.select %parallel_loop3A_404, %parallel_loop3A_395, %parallel_loop3A_392 : vector<16xi1>, vector<16xf32>
      %parallel_loop3A_406 = arith.index_cast %parallel_loop3A_399 : i32 to index
      %parallel_loop3A_407 = tpu.vector_load %arg15[%parallel_loop3A_406] {strides = array<i32>} : memref<10240xf32, #tpu.memory_space<vmem>>, vector<16xf32>,
      tpu.vector_store %arg15[%parallel_loop3A_406], %parallel_loop3A_405 {strides = array<i32>} : memref<10240xf32, #tpu.memory_space<vmem>>, vector<16xf32>,
      %parallel_loop3A_408 = arith.select %parallel_loop3A_404, %parallel_loop3A_396, %parallel_loop3A_393 : vector<16xi1>, vector<16xf32>
      %parallel_loop3A_409 = arith.index_cast %parallel_loop3A_399 : i32 to index
      %parallel_loop3A_410 = tpu.vector_load %arg16[%parallel_loop3A_409] {strides = array<i32>} : memref<10240xf32, #tpu.memory_space<vmem>>, vector<16xf32>,
      tpu.vector_store %arg16[%parallel_loop3A_409], %parallel_loop3A_408 {strides = array<i32>} : memref<10240xf32, #tpu.memory_space<vmem>>, vector<16xf32>,
      %parallel_loop3A_411 = arith.select %parallel_loop3A_404, %parallel_loop3A_397, %parallel_loop3A_394 : vector<16xi1>, vector<16xf32>
      %parallel_loop3A_412 = arith.index_cast %parallel_loop3A_399 : i32 to index
      %parallel_loop3A_413 = tpu.vector_load %arg17[%parallel_loop3A_412] {strides = array<i32>} : memref<10240xf32, #tpu.memory_space<vmem>>, vector<16xf32>,
      tpu.vector_store %arg17[%parallel_loop3A_412], %parallel_loop3A_411 {strides = array<i32>} : memref<10240xf32, #tpu.memory_space<vmem>>, vector<16xf32>,
      scf.yield %parallel_loop3A_392, %parallel_loop3A_393, %parallel_loop3A_394, %parallel_loop3A_395, %parallel_loop3A_396, %parallel_loop3A_397 : vector<16xf32>, vector<16xf32>, vector<16xf32>, vector<16xf32>, vector<16xf32>, vector<16xf32>
    } {sc.loop_unroll_factor = 8 : i64, sc.parallel_access}
    %add3A_318 = arith.constant 0 : i32
    %add3A_319 = arith.addi %add3A_318, %mul3A_2 : i32
    %add3A_320 = arith.constant 81920 : i32
    %add3A_321 = arith.addi %add3A_319, %add3A_320 : i32
    %multiple_of3A_322 = tpu.assume_multiple %add3A_321, 8 : i32
    %dma_start3A_323 = tpu.memref_slice %arg4[%multiple_of3A_322] : memref<9830400xf32, #tpu.memory_space<hbm>> -> memref<10240xf32, #tpu.memory_space<hbm>>
    %dma_start3A_324 = tpu.memref_slice %arg4[%multiple_of3A_322] : memref<9830400xf32, #tpu.memory_space<hbm>> -> memref<10240xf32, #tpu.memory_space<hbm>>
    tpu.enqueue_dma source(%arg15 : memref<10240xf32, #tpu.memory_space<vmem>>) target(%dma_start3A_324 : memref<10240xf32, #tpu.memory_space<hbm>>) target_semaphore(%arg23 : memref<!tpu.dma_semaphore, #tpu.memory_space<semaphore_mem>>)
    %add3A_325 = arith.constant 3276800 : i32
    %add3A_326 = arith.addi %add3A_325, %mul3A_2 : i32
    %add3A_327 = arith.constant 81920 : i32
    %add3A_328 = arith.addi %add3A_326, %add3A_327 : i32
    %multiple_of3A_329 = tpu.assume_multiple %add3A_328, 8 : i32
    %dma_start3A_330 = tpu.memref_slice %arg4[%multiple_of3A_329] : memref<9830400xf32, #tpu.memory_space<hbm>> -> memref<10240xf32, #tpu.memory_space<hbm>>
    %dma_start3A_331 = tpu.memref_slice %arg4[%multiple_of3A_329] : memref<9830400xf32, #tpu.memory_space<hbm>> -> memref<10240xf32, #tpu.memory_space<hbm>>
    tpu.enqueue_dma source(%arg16 : memref<10240xf32, #tpu.memory_space<vmem>>) target(%dma_start3A_331 : memref<10240xf32, #tpu.memory_space<hbm>>) target_semaphore(%arg23 : memref<!tpu.dma_semaphore, #tpu.memory_space<semaphore_mem>>)
    %add3A_332 = arith.constant 6553600 : i32
    %add3A_333 = arith.addi %add3A_332, %mul3A_2 : i32
    %add3A_334 = arith.constant 81920 : i32
    %add3A_335 = arith.addi %add3A_333, %add3A_334 : i32
    %multiple_of3A_336 = tpu.assume_multiple %add3A_335, 8 : i32
    %dma_start3A_337 = tpu.memref_slice %arg4[%multiple_of3A_336] : memref<9830400xf32, #tpu.memory_space<hbm>> -> memref<10240xf32, #tpu.memory_space<hbm>>
    %dma_start3A_338 = tpu.memref_slice %arg4[%multiple_of3A_336] : memref<9830400xf32, #tpu.memory_space<hbm>> -> memref<10240xf32, #tpu.memory_space<hbm>>
    tpu.enqueue_dma source(%arg17 : memref<10240xf32, #tpu.memory_space<vmem>>) target(%dma_start3A_338 : memref<10240xf32, #tpu.memory_space<hbm>>) target_semaphore(%arg23 : memref<!tpu.dma_semaphore, #tpu.memory_space<semaphore_mem>>)
    %dma_wait3A_339 = tpu.memref_slice %arg2[%multiple_of3A_270] : memref<3276800xi32, #tpu.memory_space<hbm>> -> memref<10240xi32, #tpu.memory_space<hbm>>
    %dma_wait3A_340 = tpu.memref_slice %arg2[%multiple_of3A_270] : memref<3276800xi32, #tpu.memory_space<hbm>> -> memref<10240xi32, #tpu.memory_space<hbm>>
    tpu.wait_dma2 semaphore(%arg18 : memref<!tpu.dma_semaphore, #tpu.memory_space<semaphore_mem>>) src(%dma_wait3A_340 : memref<10240xi32, #tpu.memory_space<hbm>>) dst(%arg6 : memref<10240xi32, #tpu.memory_space<vmem>>)
    %dma_wait3A_341 = tpu.memref_slice %arg4[%multiple_of3A_251] : memref<9830400xf32, #tpu.memory_space<hbm>> -> memref<10240xf32, #tpu.memory_space<hbm>>
    %dma_wait3A_342 = tpu.memref_slice %arg4[%multiple_of3A_251] : memref<9830400xf32, #tpu.memory_space<hbm>> -> memref<10240xf32, #tpu.memory_space<hbm>>
    tpu.wait_dma2 semaphore(%arg21 : memref<!tpu.dma_semaphore, #tpu.memory_space<semaphore_mem>>) src(%arg9 : memref<10240xf32, #tpu.memory_space<vmem>>) dst(%dma_wait3A_342 : memref<10240xf32, #tpu.memory_space<hbm>>)
    %dma_wait3A_343 = tpu.memref_slice %arg4[%multiple_of3A_258] : memref<9830400xf32, #tpu.memory_space<hbm>> -> memref<10240xf32, #tpu.memory_space<hbm>>
    %dma_wait3A_344 = tpu.memref_slice %arg4[%multiple_of3A_258] : memref<9830400xf32, #tpu.memory_space<hbm>> -> memref<10240xf32, #tpu.memory_space<hbm>>
    tpu.wait_dma2 semaphore(%arg21 : memref<!tpu.dma_semaphore, #tpu.memory_space<semaphore_mem>>) src(%arg10 : memref<10240xf32, #tpu.memory_space<vmem>>) dst(%dma_wait3A_344 : memref<10240xf32, #tpu.memory_space<hbm>>)
    %dma_wait3A_345 = tpu.memref_slice %arg4[%multiple_of3A_265] : memref<9830400xf32, #tpu.memory_space<hbm>> -> memref<10240xf32, #tpu.memory_space<hbm>>
    %dma_wait3A_346 = tpu.memref_slice %arg4[%multiple_of3A_265] : memref<9830400xf32, #tpu.memory_space<hbm>> -> memref<10240xf32, #tpu.memory_space<hbm>>
    tpu.wait_dma2 semaphore(%arg21 : memref<!tpu.dma_semaphore, #tpu.memory_space<semaphore_mem>>) src(%arg11 : memref<10240xf32, #tpu.memory_space<vmem>>) dst(%dma_wait3A_346 : memref<10240xf32, #tpu.memory_space<hbm>>)
    %parallel_loop3A_347 = arith.constant 0 : i32
    %parallel_loop3A_348 = arith.constant 640 : i32
    %parallel_loop3A_349 = arith.constant 1 : i32
    %parallel_loop3A_350:6 = scf.for %parallel_loop3A_391 = %parallel_loop3A_347 to %parallel_loop3A_348 step %parallel_loop3A_349 iter_args(%parallel_loop3A_392 = %parallel_loop3A_317#0, %parallel_loop3A_393 = %parallel_loop3A_317#1, %parallel_loop3A_394 = %parallel_loop3A_317#2, %parallel_loop3A_395 = %parallel_loop3A_317#3, %parallel_loop3A_396 = %parallel_loop3A_317#4, %parallel_loop3A_397 = %parallel_loop3A_317#5) -> (vector<16xf32>, vector<16xf32>, vector<16xf32>, vector<16xf32>, vector<16xf32>, vector<16xf32>)  : i32 {
      %parallel_loop3A_398 = arith.constant 16 : i32
      %parallel_loop3A_399 = arith.muli %parallel_loop3A_391, %parallel_loop3A_398 : i32
      %parallel_loop3A_400 = arith.index_cast %parallel_loop3A_399 : i32 to index
      %parallel_loop3A_401 = tpu.vector_load %arg6[%parallel_loop3A_400] {strides = array<i32>} : memref<10240xi32, #tpu.memory_space<vmem>>, vector<16xi32>,
      %parallel_loop3A_402 = arith.constant 0 : i32
      %parallel_loop3A_403 = vector.broadcast %parallel_loop3A_402 : i32 to vector<16xi32>
      %parallel_loop3A_404 = arith.cmpi sgt, %parallel_loop3A_401, %parallel_loop3A_403 : vector<16xi32>
      %parallel_loop3A_405 = arith.select %parallel_loop3A_404, %parallel_loop3A_395, %parallel_loop3A_392 : vector<16xi1>, vector<16xf32>
      %parallel_loop3A_406 = arith.index_cast %parallel_loop3A_399 : i32 to index
      %parallel_loop3A_407 = tpu.vector_load %arg9[%parallel_loop3A_406] {strides = array<i32>} : memref<10240xf32, #tpu.memory_space<vmem>>, vector<16xf32>,
      tpu.vector_store %arg9[%parallel_loop3A_406], %parallel_loop3A_405 {strides = array<i32>} : memref<10240xf32, #tpu.memory_space<vmem>>, vector<16xf32>,
      %parallel_loop3A_408 = arith.select %parallel_loop3A_404, %parallel_loop3A_396, %parallel_loop3A_393 : vector<16xi1>, vector<16xf32>
      %parallel_loop3A_409 = arith.index_cast %parallel_loop3A_399 : i32 to index
      %parallel_loop3A_410 = tpu.vector_load %arg10[%parallel_loop3A_409] {strides = array<i32>} : memref<10240xf32, #tpu.memory_space<vmem>>, vector<16xf32>,
      tpu.vector_store %arg10[%parallel_loop3A_409], %parallel_loop3A_408 {strides = array<i32>} : memref<10240xf32, #tpu.memory_space<vmem>>, vector<16xf32>,
      %parallel_loop3A_411 = arith.select %parallel_loop3A_404, %parallel_loop3A_397, %parallel_loop3A_394 : vector<16xi1>, vector<16xf32>
      %parallel_loop3A_412 = arith.index_cast %parallel_loop3A_399 : i32 to index
      %parallel_loop3A_413 = tpu.vector_load %arg11[%parallel_loop3A_412] {strides = array<i32>} : memref<10240xf32, #tpu.memory_space<vmem>>, vector<16xf32>,
      tpu.vector_store %arg11[%parallel_loop3A_412], %parallel_loop3A_411 {strides = array<i32>} : memref<10240xf32, #tpu.memory_space<vmem>>, vector<16xf32>,
      scf.yield %parallel_loop3A_392, %parallel_loop3A_393, %parallel_loop3A_394, %parallel_loop3A_395, %parallel_loop3A_396, %parallel_loop3A_397 : vector<16xf32>, vector<16xf32>, vector<16xf32>, vector<16xf32>, vector<16xf32>, vector<16xf32>
    } {sc.loop_unroll_factor = 8 : i64, sc.parallel_access}
    %add3A_351 = arith.constant 0 : i32
    %add3A_352 = arith.addi %add3A_351, %mul3A_2 : i32
    %add3A_353 = arith.constant 92160 : i32
    %add3A_354 = arith.addi %add3A_352, %add3A_353 : i32
    %multiple_of3A_355 = tpu.assume_multiple %add3A_354, 8 : i32
    %dma_start3A_356 = tpu.memref_slice %arg4[%multiple_of3A_355] : memref<9830400xf32, #tpu.memory_space<hbm>> -> memref<10240xf32, #tpu.memory_space<hbm>>
    %dma_start3A_357 = tpu.memref_slice %arg4[%multiple_of3A_355] : memref<9830400xf32, #tpu.memory_space<hbm>> -> memref<10240xf32, #tpu.memory_space<hbm>>
    tpu.enqueue_dma source(%arg9 : memref<10240xf32, #tpu.memory_space<vmem>>) target(%dma_start3A_357 : memref<10240xf32, #tpu.memory_space<hbm>>) target_semaphore(%arg21 : memref<!tpu.dma_semaphore, #tpu.memory_space<semaphore_mem>>)
    %add3A_358 = arith.constant 3276800 : i32
    %add3A_359 = arith.addi %add3A_358, %mul3A_2 : i32
    %add3A_360 = arith.constant 92160 : i32
    %add3A_361 = arith.addi %add3A_359, %add3A_360 : i32
    %multiple_of3A_362 = tpu.assume_multiple %add3A_361, 8 : i32
    %dma_start3A_363 = tpu.memref_slice %arg4[%multiple_of3A_362] : memref<9830400xf32, #tpu.memory_space<hbm>> -> memref<10240xf32, #tpu.memory_space<hbm>>
    %dma_start3A_364 = tpu.memref_slice %arg4[%multiple_of3A_362] : memref<9830400xf32, #tpu.memory_space<hbm>> -> memref<10240xf32, #tpu.memory_space<hbm>>
    tpu.enqueue_dma source(%arg10 : memref<10240xf32, #tpu.memory_space<vmem>>) target(%dma_start3A_364 : memref<10240xf32, #tpu.memory_space<hbm>>) target_semaphore(%arg21 : memref<!tpu.dma_semaphore, #tpu.memory_space<semaphore_mem>>)
    %add3A_365 = arith.constant 6553600 : i32
    %add3A_366 = arith.addi %add3A_365, %mul3A_2 : i32
    %add3A_367 = arith.constant 92160 : i32
    %add3A_368 = arith.addi %add3A_366, %add3A_367 : i32
    %multiple_of3A_369 = tpu.assume_multiple %add3A_368, 8 : i32
    %dma_start3A_370 = tpu.memref_slice %arg4[%multiple_of3A_369] : memref<9830400xf32, #tpu.memory_space<hbm>> -> memref<10240xf32, #tpu.memory_space<hbm>>
    %dma_start3A_371 = tpu.memref_slice %arg4[%multiple_of3A_369] : memref<9830400xf32, #tpu.memory_space<hbm>> -> memref<10240xf32, #tpu.memory_space<hbm>>
    tpu.enqueue_dma source(%arg11 : memref<10240xf32, #tpu.memory_space<vmem>>) target(%dma_start3A_371 : memref<10240xf32, #tpu.memory_space<hbm>>) target_semaphore(%arg21 : memref<!tpu.dma_semaphore, #tpu.memory_space<semaphore_mem>>)
    %dma_wait3A_372 = tpu.memref_slice %arg4[%multiple_of3A_289] : memref<9830400xf32, #tpu.memory_space<hbm>> -> memref<10240xf32, #tpu.memory_space<hbm>>
    %dma_wait3A_373 = tpu.memref_slice %arg4[%multiple_of3A_289] : memref<9830400xf32, #tpu.memory_space<hbm>> -> memref<10240xf32, #tpu.memory_space<hbm>>
    tpu.wait_dma2 semaphore(%arg22 : memref<!tpu.dma_semaphore, #tpu.memory_space<semaphore_mem>>) src(%arg12 : memref<10240xf32, #tpu.memory_space<vmem>>) dst(%dma_wait3A_373 : memref<10240xf32, #tpu.memory_space<hbm>>)
    %dma_wait3A_374 = tpu.memref_slice %arg4[%multiple_of3A_296] : memref<9830400xf32, #tpu.memory_space<hbm>> -> memref<10240xf32, #tpu.memory_space<hbm>>
    %dma_wait3A_375 = tpu.memref_slice %arg4[%multiple_of3A_296] : memref<9830400xf32, #tpu.memory_space<hbm>> -> memref<10240xf32, #tpu.memory_space<hbm>>
    tpu.wait_dma2 semaphore(%arg22 : memref<!tpu.dma_semaphore, #tpu.memory_space<semaphore_mem>>) src(%arg13 : memref<10240xf32, #tpu.memory_space<vmem>>) dst(%dma_wait3A_375 : memref<10240xf32, #tpu.memory_space<hbm>>)
    %dma_wait3A_376 = tpu.memref_slice %arg4[%multiple_of3A_303] : memref<9830400xf32, #tpu.memory_space<hbm>> -> memref<10240xf32, #tpu.memory_space<hbm>>
    %dma_wait3A_377 = tpu.memref_slice %arg4[%multiple_of3A_303] : memref<9830400xf32, #tpu.memory_space<hbm>> -> memref<10240xf32, #tpu.memory_space<hbm>>
    tpu.wait_dma2 semaphore(%arg22 : memref<!tpu.dma_semaphore, #tpu.memory_space<semaphore_mem>>) src(%arg14 : memref<10240xf32, #tpu.memory_space<vmem>>) dst(%dma_wait3A_377 : memref<10240xf32, #tpu.memory_space<hbm>>)
    %dma_wait3A_378 = tpu.memref_slice %arg4[%multiple_of3A_322] : memref<9830400xf32, #tpu.memory_space<hbm>> -> memref<10240xf32, #tpu.memory_space<hbm>>
    %dma_wait3A_379 = tpu.memref_slice %arg4[%multiple_of3A_322] : memref<9830400xf32, #tpu.memory_space<hbm>> -> memref<10240xf32, #tpu.memory_space<hbm>>
    tpu.wait_dma2 semaphore(%arg23 : memref<!tpu.dma_semaphore, #tpu.memory_space<semaphore_mem>>) src(%arg15 : memref<10240xf32, #tpu.memory_space<vmem>>) dst(%dma_wait3A_379 : memref<10240xf32, #tpu.memory_space<hbm>>)
    %dma_wait3A_380 = tpu.memref_slice %arg4[%multiple_of3A_329] : memref<9830400xf32, #tpu.memory_space<hbm>> -> memref<10240xf32, #tpu.memory_space<hbm>>
    %dma_wait3A_381 = tpu.memref_slice %arg4[%multiple_of3A_329] : memref<9830400xf32, #tpu.memory_space<hbm>> -> memref<10240xf32, #tpu.memory_space<hbm>>
    tpu.wait_dma2 semaphore(%arg23 : memref<!tpu.dma_semaphore, #tpu.memory_space<semaphore_mem>>) src(%arg16 : memref<10240xf32, #tpu.memory_space<vmem>>) dst(%dma_wait3A_381 : memref<10240xf32, #tpu.memory_space<hbm>>)
    %dma_wait3A_382 = tpu.memref_slice %arg4[%multiple_of3A_336] : memref<9830400xf32, #tpu.memory_space<hbm>> -> memref<10240xf32, #tpu.memory_space<hbm>>
    %dma_wait3A_383 = tpu.memref_slice %arg4[%multiple_of3A_336] : memref<9830400xf32, #tpu.memory_space<hbm>> -> memref<10240xf32, #tpu.memory_space<hbm>>
    tpu.wait_dma2 semaphore(%arg23 : memref<!tpu.dma_semaphore, #tpu.memory_space<semaphore_mem>>) src(%arg17 : memref<10240xf32, #tpu.memory_space<vmem>>) dst(%dma_wait3A_383 : memref<10240xf32, #tpu.memory_space<hbm>>)
    %dma_wait3A_384 = tpu.memref_slice %arg4[%multiple_of3A_355] : memref<9830400xf32, #tpu.memory_space<hbm>> -> memref<10240xf32, #tpu.memory_space<hbm>>
    %dma_wait3A_385 = tpu.memref_slice %arg4[%multiple_of3A_355] : memref<9830400xf32, #tpu.memory_space<hbm>> -> memref<10240xf32, #tpu.memory_space<hbm>>
    tpu.wait_dma2 semaphore(%arg21 : memref<!tpu.dma_semaphore, #tpu.memory_space<semaphore_mem>>) src(%arg9 : memref<10240xf32, #tpu.memory_space<vmem>>) dst(%dma_wait3A_385 : memref<10240xf32, #tpu.memory_space<hbm>>)
    %dma_wait3A_386 = tpu.memref_slice %arg4[%multiple_of3A_362] : memref<9830400xf32, #tpu.memory_space<hbm>> -> memref<10240xf32, #tpu.memory_space<hbm>>
    %dma_wait3A_387 = tpu.memref_slice %arg4[%multiple_of3A_362] : memref<9830400xf32, #tpu.memory_space<hbm>> -> memref<10240xf32, #tpu.memory_space<hbm>>
    tpu.wait_dma2 semaphore(%arg21 : memref<!tpu.dma_semaphore, #tpu.memory_space<semaphore_mem>>) src(%arg10 : memref<10240xf32, #tpu.memory_space<vmem>>) dst(%dma_wait3A_387 : memref<10240xf32, #tpu.memory_space<hbm>>)
    %dma_wait3A_388 = tpu.memref_slice %arg4[%multiple_of3A_369] : memref<9830400xf32, #tpu.memory_space<hbm>> -> memref<10240xf32, #tpu.memory_space<hbm>>
    %dma_wait3A_389 = tpu.memref_slice %arg4[%multiple_of3A_369] : memref<9830400xf32, #tpu.memory_space<hbm>> -> memref<10240xf32, #tpu.memory_space<hbm>>
    tpu.wait_dma2 semaphore(%arg21 : memref<!tpu.dma_semaphore, #tpu.memory_space<semaphore_mem>>) src(%arg11 : memref<10240xf32, #tpu.memory_space<vmem>>) dst(%dma_wait3A_389 : memref<10240xf32, #tpu.memory_space<hbm>>)
    %swap3A = arith.constant 0 : index
    %swap3A_390 = tpu.vector_load %arg5[%swap3A] {strides = array<i32>} : memref<96xf32, #tpu.memory_space<vmem>>, vector<16xf32>,
    tpu.vector_store %arg5[%swap3A], %parallel_loop3A_350#0 {strides = array<i32>} : memref<96xf32, #tpu.memory_space<vmem>>, vector<16xf32>,
    return
  }
}

</mosaic_0001>

<sc_bundles>
// kernel: kernel.3.cloned.1.call-start
scs
__scs_entry_jumppad:
0x0: {  	(pc) =	sbr.rel $0x88, $3  }
0x1: {  	(tag) =	ssettag $0x0;
	lr =	simm.s32 $0x1  }
0x2: {  	[smem:$0x3F9F] =	sst lr;
	_ =	strace $0xD0000000  }
0x3: {  	_ = 	snop  }
0x4: {  	_ = 	snop  }
0x5: {  	_ = 	snop  }
0x6: {  	_ = 	snop  }
0x7: {  	_ = 	snop  }
__scs_overlays_trampoline_lowered:
0x8: {  	[smem:$0x3FAE] =	sst s0  }
0x9: {  	[smem:$0x3FAF] =	sst s1  }
0xa: {  	[smem:$0x3FB0] =	sst s2  }
0xb: {  	[smem:$0x3FB1] =	sst s3  }
0xc: {  	[smem:$0x3FB2] =	sst s4  }
0xd: {  	[smem:$0x3FB3] =	sst s5  }
0xe: {  	[smem:$0x3FB4] =	sst s6  }
0xf: {  	[smem:$0x3FB5] =	sst s7  }
0x10: {  	[smem:$0x3FB6] =	sst s8  }
0x11: {  	[smem:$0x3FB7] =	sst s9;
	s0 =	simm.s32 @!p0 $0x0  }
0x12: {  	s1 =	sld [smem:$0x3F9D];
	s0 =	simm.s32 @p0 $0x1  }
0x13: {  	[smem:$0x3FB8] =	sst s0;
	s0 =	simm.s32 @!p1 $0x0  }
0x14: {  	s2 =	sld [smem:$0x3F9C];
	s0 =	simm.s32 @p1 $0x1  }
0x15: {  	[smem:$0x3FB9] =	sst s0;
	s0 =	simm.s32 @!p2 $0x0  }
0x16: {  	s3 =	sld [smem:$0x3FDB];
	s0 =	simm.s32 @p2 $0x1  }
0x17: {  	s4 =	simm.s32 $0x1BF5;
	[smem:$0x3FBB] =	sst s0  }
0x18: {  	s0 =	sld [smem:$0x3F9E];
	_ =	swait.ge [sflag:s4], $0x0  }
0x19: {  	s7 =	sld [smem:$0x3F9F]  }
0x1a: {  	s8 =	sadd.s32 $0xFFFFE003, lr  }
0x1b: {  	s9 =	sadd.s32 $0xFFFFFEF7, lr;
	s5 =	simm.s32 $0xFFFFFFFF;
	p2 =	slt.u32 s8, $0xFFFFF086  }
0x1c: {  	p1 =	slt.u32 s9, $0xF7A;
	s5 =	simm.s32 @!p2 $0x0  }
0x1d: {  	s5 =	simm.s32 @p1 $0x1;
	p0 =	seq.s32 s7, s2  }
0x1e: {  	s7 =	smul.u32 @!p0 $0xF7A, s2;
	p2 =	seq.s32 @!p0 s5, $0x0  }
0x1f: {  	s9 =	smul.u32 $0xF7A, s1;
	s8 =	simm.s32 @!p0 $0x1BF5;
	p2 =	por !p2, p0  }
0x20: {  	[sflag:s8] =	ssyncset.s32 @!p0 $0xFFFFF086;
	s6 =	sadd.s32 @!p0 s3, s7;
	s7 =	simm.s32 @!p0 $0x108  }
0x21: {  	s3 =	sadd.s32 s3, s9;
	s6 =	sadd.s32 @!p0 $0x88, s6;
	s7 =	simm.s32 @p2 $0x1082  }
0x22: {  	[simem:s7], [sflag:s8] =	dma.local @!p0 [hbm:s6], $0xF7A  }
0x23: {  	s9 =	sor.u32 $0xD0000000, s2;
	s6 =	simm.s32 $0x108;
	_ =	swait.ge @!p0 [sflag:s8], $0x0  }
0x24: {  	s3 =	sadd.s32 $0x88, s3;
	s6 =	simm.s32 @!p1 $0x1082;
	[sflag:s4] =	ssyncset.s32 $0xFFFFF086  }
0x25: {  	[simem:s6], [sflag:s4] =	dma.local [hbm:s3], $0xF7A  }
0x26: {  	[smem:$0x3F9F] =	sst s1;
	(tag) =	ssettag s2;
	_ =	strace s9  }
0x27: {  	s1 =	sld [smem:$0x3FAF]  }
0x28: {  	s2 =	sld [smem:$0x3FB0]  }
0x29: {  	s4 =	sld [smem:$0x3FB2]  }
0x2a: {  	p0 =	seq.s32 s5, $0x0;
	s5 =	sld [smem:$0x3FB3]  }
0x2b: {  	s6 =	sld [smem:$0x3FB4]  }
0x2c: {  	s7 =	sld [smem:$0x3FB5]  }
0x2d: {  	s3 =	simm.s32 $0x108;
	s8 =	sld [smem:$0x3FB6]  }
0x2e: {  	s3 =	simm.s32 @!p0 $0x1082;
	s9 =	sld [smem:$0x3FB7]  }
0x2f: {  	lr =	sadd.s32 s0, s3;
	s0 =	sld [smem:$0x3FAE]  }
0x30: {  	s3 =	sld [smem:$0x3FB1]  }
0x31: {  	[smem:$0x3FBA] =	sst s10  }
0x32: {  	s10 =	sld [smem:$0x3FB8];
	_ =	sdelay $0x3  }
0x33: {  	p0 =	seq.s32 s10, $0x1;
	s10 =	sld [smem:$0x3FBA];
	_ =	sdelay $0x3  }
0x34: {  	[smem:$0x3FBA] =	sst s10  }
0x35: {  	s10 =	sld [smem:$0x3FB9];
	_ =	sdelay $0x3  }
0x36: {  	p1 =	seq.s32 s10, $0x1;
	s10 =	sld [smem:$0x3FBA];
	_ =	sdelay $0x3  }
0x37: {  	[smem:$0x3FBA] =	sst s10  }
0x38: {  	s10 =	sld [smem:$0x3FBB]  }
0x39: {  	_ = 	snop;
	(pc) =	sbr.ind lr, $3  }
0x3a: {  	_ = 	snop  }
0x3b: {  	_ = 	snop  }
0x3c: {  	p2 =	seq.s32 s10, $0x1;
	s10 =	sld [smem:$0x3FBA]  }
0x3d: {  	_ =	shalt  }
0x3e: {  	_ =	shalt  }
0x3f: {  	_ =	shalt  }
0x40: {  	_ =	shalt  }
0x41: {  	_ =	shalt  }
0x42: {  	_ =	shalt  }
0x43: {  	_ =	shalt  }
0x44: {  	_ =	shalt  }
0x45: {  	_ =	shalt  }
0x46: {  	_ =	shalt  }
0x47: {  	_ =	shalt  }
0x48: {  	_ =	shalt  }
0x49: {  	_ =	shalt  }
0x4a: {  	_ =	shalt  }
0x4b: {  	_ =	shalt  }
0x4c: {  	_ =	shalt  }
0x4d: {  	_ =	shalt  }
0x4e: {  	_ =	shalt  }
0x4f: {  	_ =	shalt  }
0x50: {  	_ =	shalt  }
0x51: {  	_ =	shalt  }
0x52: {  	_ =	shalt  }
0x53: {  	_ =	shalt  }
0x54: {  	_ =	shalt  }
0x55: {  	_ =	shalt  }
0x56: {  	_ =	shalt  }
0x57: {  	_ =	shalt  }
0x58: {  	_ =	shalt  }
0x59: {  	_ =	shalt  }
0x5a: {  	_ =	shalt  }
0x5b: {  	_ =	shalt  }
0x5c: {  	_ =	shalt  }
0x5d: {  	_ =	shalt  }
0x5e: {  	_ =	shalt  }
0x5f: {  	_ =	shalt  }
0x60: {  	_ =	shalt  }
0x61: {  	_ =	shalt  }
0x62: {  	_ =	shalt  }
0x63: {  	_ =	shalt  }
0x64: {  	_ =	shalt  }
0x65: {  	_ =	shalt  }
0x66: {  	_ =	shalt  }
0x67: {  	_ =	shalt  }
0x68: {  	_ =	shalt  }
0x69: {  	_ =	shalt  }
0x6a: {  	_ =	shalt  }
0x6b: {  	_ =	shalt  }
0x6c: {  	_ =	shalt  }
0x6d: {  	_ =	shalt  }
0x6e: {  	_ =	shalt  }
0x6f: {  	_ =	shalt  }
0x70: {  	_ =	shalt  }
0x71: {  	_ =	shalt  }
0x72: {  	_ =	shalt  }
0x73: {  	_ =	shalt  }
0x74: {  	_ =	shalt  }
0x75: {  	_ =	shalt  }
0x76: {  	_ =	shalt  }
0x77: {  	_ =	shalt  }
0x78: {  	_ =	shalt  }
0x79: {  	_ =	shalt  }
0x7a: {  	_ =	shalt  }
0x7b: {  	_ =	shalt  }
0x7c: {  	_ =	shalt  }
0x7d: {  	_ =	shalt  }
0x7e: {  	_ =	shalt  }
0x7f: {  	_ =	shalt  }
0x80: {  	_ =	shalt  }
0x81: {  	_ =	shalt  }
0x82: {  	_ =	shalt  }
0x83: {  	_ =	shalt  }
0x84: {  	_ =	shalt  }
0x85: {  	_ =	shalt  }
0x86: {  	_ =	shalt  }
0x87: {  	_ =	shalt  }
.Lfunc_end0:
.L_simem_size_0:
called_computation_lowered:
.L_overlay_start_0:
0x88: {  	s2 =	sld [smem:$0x3FD9]  }
0x89: {  	s3 =	sld [smem:$0x3FFE];
	_ =	sdelay $0x1  }
0x8a: {  	s1 =	srdreg.scid  }
0x8b: {  	s0 =	sand.u32 $0x1, s1  }
0x8c: {  	s17 =	sshll.u32 s0, $0xA;
	s2 =	sadd.s32 s3, s2  }
0x8d: {  	s2 =	sadd.s32 s2, s17  }
0x8e: {  	[smem:$0x3FC6] =	sst s2  }
0x8f: {  	_ = 	snop  }
0x90: {  	s2 =	sld [smem:$0x3FC9]  }
0x91: {  	s18 =	sld [smem:$0x3FD0];
	(tm) =	ssettm $0x1  }
0x92: {  	s4 =	sld [smem:$0x3FFB];
	_ =	sdelay $0x3  }
0x93: {  	_ =	strace s4  }
0x94: {  	s4 =	sld [smem:$0x3FFC];
	_ =	sdelay $0x3  }
0x95: {  	_ =	strace s4  }
0x96: {  	s4 =	sld [smem:$0x3FFD];
	_ =	sdelay $0x3  }
0x97: {  	_ =	strace s4  }
0x98: {  	_ =	strace $0x8FFFFFFF  }
0x99: {  	s19 =	sld [smem:$0x3FDB];
	_ =	sdelay $0x1  }
0x9a: {  	s5 =	simm.s32 $_scs_section_size  }
0x9b: {  	s6 =	simm.s32 $_size__tile_overlayer_lowered;
	s7 =	simm.s32 $_tile_overlayer_lowered  }
0x9c: {  	s22 =	simm.s32 $0x1BFF;
	s21 =	sshll.u32 s7, $0x1;
	s4 =	sadd.s32 s5, s19  }
0x9d: {  	s8 =	simm.s32 $0x0;
	s20 =	sshll.u32 s6, $0x1;
	s6 =	sadd.s32 s21, s4  }
0x9e: {  	[timem:s8], [sflag:s22] =	dma.local [hbm:s6], s20  }
0x9f: {  	_ =	swait.ge [sflag:s22], s20  }
0xa0: {  	s5 =	ssub.s32 $0x0, s20;
	[sflag:s22] =	ssyncset.done $0x0  }
0xa1: {  	[sflag:s22] =	ssyncadd.s32 s5;
	_ =	sdelay $0x1  }
0xa2: {  	s23 =	simm.s32 $0x1B8B  }
0xa3: {  	_ =	swait.ge [sflag:s23], $0x1  }
0xa4: {  	[sflag:s23] =	ssyncset.done $0x0  }
0xa5: {  	s25 =	simm.s32 $0x1B8E;
	s24 =	sld [smem:$0x3FFE];
	[sflag:s23] =	ssyncadd.s32 $0xFFFFFFFF  }
0xa6: {  	s26 =	simm.s32 $execute0_lowered;
	[smem:$0x3FD2] =	sst s25  }
0xa7: {  	s6 =	sshll.u32 s26, $0x1;
	_ =	strace $0x80000046;
	[dreg:$0x1] =	wrdreg $0xFFFFFFFF  }
0xa8: {  	s28 =	simm.s32 $_size_execute0_lowered;
	s4 =	sadd.s32 s4, s6;
	[dreg:$0x0] =	wrdreg $0x0  }
0xa9: {  	s6 =	sshll.u32 s28, $0x1;
	[dreg:$0x2] =	wrdreg s4  }
0xaa: {  	[dreg:$0x3] =	wrdreg s6  }
0xab: {  	[dreg:$0x4] =	wrdreg $0xC0  }
0xac: {  	_ =	task [dreg:s8], $0x5FFFF  }
0xad: {  	[dreg:$0x1] =	wrdreg $0xFFFFFFFF  }
0xae: {  	[dreg:$0x0] =	wrdreg $0x60  }
0xaf: {  	[dreg:$0x2] =	wrdreg s2  }
0xb0: {  	[dreg:$0x3] =	wrdreg s24  }
0xb1: {  	[dreg:$0x4] =	wrdreg s18  }
0xb2: {  	[dreg:$0x5] =	wrdreg $0x9  }
0xb3: {  	_ =	task.clear_ibuf [dreg:s8], $0x6FFFF;
	_ =	strace $0x90000046  }
0xb4: {  	s29 =	simm.s32 $0x9;
	_ =	strace $0x80000048  }
0xb5: {  	_ =	swait.ge [sflag:s29], $0x1  }
0xb6: {  	[sflag:s29] =	ssyncadd.s32 $0xFFFFFFFF  }
0xb7: {  	_ =	strace $0x90000048  }
0xb8: {  	_ =	sfence  }
0xb9: {  	s30 =	sld [smem:$0x0];
	_ =	sdelay $0x2  }
0xba: {  	s31 =	sshll.u32 s1, $0xD;
	s1 =	sshrl.u32 s1, $0x2  }
0xbb: {  	s3 =	sand.u32 $0x4000, s31;
	s1 =	sadd.s32 s1, s30  }
0xbc: {  	s0 =	sor.u32 s3, s0;
	s1 =	sshll.u32 s1, $0x11  }
0xbd: {  	s0 =	sor.u32 s1, s0  }
0xbe: {  	s0 =	sadd.s32 $0x8F2B, s0  }
0xbf: {  	[sflag:s0] =	ssyncadd.remote.s32 $0x1  }
0xc0: {  	_ =	sfence.sel $0xFFFF  }
0xc1: {  	[dreg:$0x0] =	wrdreg $0xFFFFFFFF;
	(pc) =	sbr.abs _section_cstart, $3  }
0xc2: {  	[dreg:$0x1] =	wrdreg $0xFFFFFFFF  }
0xc3: {  	_ =	task.clear_ibuf [dreg:s8], $0x2FFFF;
	_ =	strace $0x9FFFFFFF  }
0xc4: {  	(tm) =	ssettm $0x7FFFFFFF  }
0xc5: {  	_ =	shalt  }
tec
execute0_lowered:
.L_overlay_start_1:
0x0: {  	(tag) =	ssettag $0x1  }
0x1: {  	s0 =	rddreg [dreg:$0x0];
	s1 =	srdreg.scid  }
0x2: {  	s2 =	stileid.u32;
	s3 =	rddreg [dreg:$0x1]  }
0x3: {  	s4 =	rddreg [dreg:$0x2];
	s1 =	sand.u32 $0x1, s1;
	s2 =	sshll.u32 s2, $0x1  }
0x4: {  	s5 =	sor.u32 s1, s2;
	s2 =	simm.s32 $0x0;
	s1 =	ssub.s32 $0x2, s1  }
0x5: {  	s5 =	smul.u32 $0x19000, s5;
	[smem:$0x7FF] =	sst s2;
	s6 =	sshrl.u32 s1, $0x1  }
0x6: {  	s3 =	sadd.s32 $0x400, s3;
	_ =	strace $0x80000047;
	s1 =	ssub.s32 s1, s6  }
0x7: {  	[dreg:$0x4] =	wrdreg s3;
	s5 =	sshrl.u32 s5, $0x3;
	s11 =	smax.u32 s1, $0x1  }
0x8: {  	s13 =	sadd.s32 $0x500, s5;
	s14 =	sadd.s32 s0, s5;
	[dreg:$0x19] =	wrdreg s11  }
0x9: {  	s16 =	sadd.s32 $0xA00, s5;
	[dreg:$0x5] =	wrdreg s14;
	s15 =	sadd.s32 s0, s13  }
0xa: {  	s8 =	sadd.s32 $0xF00, s5;
	s7 =	sadd.s32 s0, s16;
	[dreg:$0x6] =	wrdreg s15  }
0xb: {  	s9 =	sadd.s32 s0, s8;
	[dreg:$0x7] =	wrdreg s7  }
0xc: {  	s17 =	sadd.s32 $0x1400, s5;
	s3 =	sadd.s32 s4, s13;
	[dreg:$0x8] =	wrdreg s9  }
0xd: {  	s18 =	sadd.s32 s0, s17;
	[dreg:$0x9] =	wrdreg s3  }
0xe: {  	s19 =	sadd.s32 $0x1900, s5;
	s6 =	sadd.s32 s4, s16;
	[dreg:$0xa] =	wrdreg s18  }
0xf: {  	s20 =	sadd.s32 s0, s19;
	[dreg:$0xb] =	wrdreg s6  }
0x10: {  	s21 =	sadd.s32 $0x1E00, s5;
	s8 =	sadd.s32 s4, s8;
	[dreg:$0xc] =	wrdreg s20  }
0x11: {  	s23 =	sadd.s32 $0x2300, s5;
	s22 =	sadd.s32 s0, s21;
	[dreg:$0xd] =	wrdreg s8  }
0x12: {  	s25 =	sadd.s32 $0x2800, s5;
	s24 =	sadd.s32 s0, s23;
	[dreg:$0xe] =	wrdreg s22  }
0x13: {  	s26 =	sadd.s32 s0, s25;
	[dreg:$0x10] =	wrdreg s24  }
0x14: {  	s3 =	sadd.s32 s4, s17;
	[dreg:$0x12] =	wrdreg s26  }
0x15: {  	s7 =	sadd.s32 s4, s5;
	s6 =	sadd.s32 s4, s19;
	[dreg:$0xf] =	wrdreg s3  }
0x16: {  	s8 =	sadd.s32 s4, s21;
	s5 =	sadd.s32 $0x2D00, s5;
	[dreg:$0x11] =	wrdreg s6  }
0x17: {  	[dreg:$0x13] =	wrdreg s8;
	s0 =	sadd.s32 s0, s5  }
0x18: {  	s3 =	sadd.s32 s4, s23;
	[dreg:$0x14] =	wrdreg s0  }
0x19: {  	s8 =	sadd.s32 s4, s25;
	[dreg:$0x15] =	wrdreg s3  }
0x1a: {  	s9 =	sadd.s32 s4, s5;
	[dreg:$0x16] =	wrdreg s8  }
0x1b: {  	s10 =	sadd.s32 $0x64000, s7;
	[dreg:$0x17] =	wrdreg s9  }
0x1c: {  	s12 =	sadd.s32 $0xC8000, s7;
	[dreg:$0x18] =	wrdreg s10  }
0x1d: {  	s13 =	sadd.s32 $0x64500, s7;
	[dreg:$0x1a] =	wrdreg s12  }
0x1e: {  	s14 =	sadd.s32 $0xC8500, s7;
	[dreg:$0x1b] =	wrdreg s13  }
0x1f: {  	s15 =	sadd.s32 $0x64A00, s7;
	[dreg:$0x1c] =	wrdreg s14  }
0x20: {  	s16 =	sadd.s32 $0xC8A00, s7;
	[dreg:$0x1d] =	wrdreg s15  }
0x21: {  	s17 =	sadd.s32 $0x64F00, s7;
	[dreg:$0x1e] =	wrdreg s16  }
0x22: {  	s18 =	sadd.s32 $0xC8F00, s7;
	[dreg:$0x1f] =	wrdreg s17  }
0x23: {  	s19 =	sadd.s32 $0x65400, s7;
	[smem:$0x7F5] =	sst s18  }
0x24: {  	s28 =	simm.s32 $0x14080;
	s20 =	sadd.s32 $0xC9400, s7;
	[smem:$0x7F6] =	sst s19  }
0x25: {  	s29 =	simm.s32 $0x3;
	s21 =	sadd.s32 $0x65900, s7;
	[smem:$0x7F7] =	sst s20  }
0x26: {  	s30 =	simm.s32 $0x16880;
	s22 =	sadd.s32 $0xC9900, s7;
	[smem:$0x7F8] =	sst s21  }
0x27: {  	s31 =	simm.s32 $0x19080;
	s23 =	sadd.s32 $0x65E00, s7;
	[smem:$0x7F9] =	sst s22  }
0x28: {  	s1 =	simm.s32 $0x1B880;
	s24 =	sadd.s32 $0xC9E00, s7;
	[smem:$0x7FA] =	sst s23  }
0x29: {  	s25 =	sadd.s32 $0x66300, s7;
	s26 =	sadd.s32 $0xCA300, s7;
	[smem:$0x7FB] =	sst s24  }
0x2a: {  	s4 =	simm.s32 $0x6;
	s5 =	simm.s32 $0x0;
	[smem:$0x7FC] =	sst s25  }
0x2b: {  	[smem:$0x7FD] =	sst s26;
	s12 =	sadd.s32 $0x66800, s7;
	s13 =	sadd.s32 $0xCA800, s7  }
0x2c: {  	s14 =	sadd.s32 $0x66D00, s7;
	s15 =	sadd.s32 $0xCAD00, s7;
	s16 =	simm.s32 $0x7  }
0x2d: {  	s17 =	simm.s32 $0x80;
	s18 =	simm.s32 $0x2880;
	s19 =	simm.s32 $0x5080  }
0x2e: {  	s20 =	simm.s32 $0x1;
	s21 =	simm.s32 $0x7880;
	s22 =	simm.s32 $0xA080  }
0x2f: {  	s23 =	simm.s32 $0xC880;
	s24 =	simm.s32 $0x2;
	s25 =	simm.s32 $0xF080  }
0x30: {  	s26 =	simm.s32 $0x11880;
	s0 =	simm.s32 $0x4;
	s3 =	simm.s32 $0x5  }
.LBB2_1:
0x31: {  	s6 =	rddreg [dreg:$0x4]  }
0x32: {  	[tilespmem:s2], [sflag:$0x7] =	stream.linear.gather [hbm4b:s6+s2], $0x80, $0x38;
	[tilespmem:$0x1E080] =	vst v63  }
0x33: {  	_ =	swait.ge [sflag:s16], $0x80  }
0x34: {  	[sflag:s16] =	ssyncset.done $0x0  }
0x35: {  	[sflag:s16] =	ssyncadd.s32 $0xFFFFFF80  }
0x36: {  	v0 =	vld [tilespmem:$0x0]  }
0x37: {  	v1 =	vld [tilespmem:$0x10]  }
0x38: {  	v2 =	vld [tilespmem:$0x20]  }
0x39: {  	v3 =	vld [tilespmem:$0x30]  }
0x3a: {  	s9 =	rddreg [dreg:$0x5];
	v4 =	vld [tilespmem:$0x40]  }
0x3b: {  	v5 =	vld [tilespmem:$0x50];
	[tilespmem:s17], [sflag:$0x1] =	stream.linear.gather [hbm4b:s9+s2], $0x2800, $0x38  }
0x3c: {  	s10 =	rddreg [dreg:$0x6]  }
0x3d: {  	[tilespmem:s18], [sflag:$0x2] =	stream.linear.gather [hbm4b:s10+s2], $0x2800, $0x38;
	[tilespmem:$0x1E080] =	vst v63  }
0x3e: {  	s11 =	rddreg [dreg:$0x7]  }
0x3f: {  	[tilespmem:s19], [sflag:$0x3] =	stream.linear.gather [hbm4b:s11+s2], $0x2800, $0x38;
	[tilespmem:$0x1E080] =	vst v63  }
0x40: {  	_ =	swait.ge [sflag:s20], $0x2800  }
0x41: {  	[sflag:s20] =	ssyncset.done $0x0  }
0x42: {  	s10 =	simm.s32 $0xC0;
	[sflag:s20] =	ssyncadd.s32 $0xFFFFD800  }
0x43: {  	v6 =	vld [tilespmem:s10+$0x30]  }
0x44: {  	v9 =	vld [tilespmem:s10+$0xFFFFFFC0];
	_ =	sdelay $0x2  }
0x45: {  	v7 =	vld [tilespmem:s10+$0xFFFFFFD0]  }
0x46: {  	vm0 =	vgt.s32 v6, $0x0  }
0x47: {  	s6 =	simm.s32 $0x78C0;
	vm13 =	vgt.s32 v9, $0x0;
	v8 =	vsel vm0, v3, v0  }
0x48: {  	v9 =	vsel vm13, v3, v0;
	[tilespmem:s6+$0x30] =	vst v8  }
0x49: {  	s8 =	simm.s32 $0xA0C0;
	v6 =	vld [tilespmem:s10+$0xFFFFFFE0];
	v8 =	vsel vm0, v4, v1;
	[tilespmem:s6+$0xFFFFFFC0] =	vst v9  }
0x4a: {  	s9 =	simm.s32 $0xC8C0;
	vm1 =	vgt.s32 v7, $0x0;
	v7 =	vsel vm0, v5, v2;
	[tilespmem:s8+$0x30] =	vst v8  }
0x4b: {  	v8 =	vsel vm1, v3, v0;
	[tilespmem:s9+$0x30] =	vst v7  }
0x4c: {  	v7 =	vsel vm1, v4, v1;
	[tilespmem:s6+$0xFFFFFFD0] =	vst v8  }
0x4d: {  	v10 =	vsel vm13, v4, v1;
	[tilespmem:s8+$0xFFFFFFD0] =	vst v7;
	v7 =	vld [tilespmem:s10+$0xFFFFFFF0]  }
0x4e: {  	v9 =	vld [tilespmem:s10+$0x20];
	[tilespmem:s8+$0xFFFFFFC0] =	vst v10;
	vm12 =	vgt.s32 v6, $0x0;
	v6 =	vsel vm1, v5, v2  }
0x4f: {  	v11 =	vsel vm13, v5, v2;
	[tilespmem:s9+$0xFFFFFFD0] =	vst v6;
	v6 =	vld [tilespmem:s10+$0x0]  }
0x50: {  	[tilespmem:s9+$0xFFFFFFC0] =	vst v11;
	v8 =	vsel vm12, v3, v0  }
0x51: {  	v10 =	vsel vm12, v4, v1;
	[tilespmem:s6+$0xFFFFFFE0] =	vst v8;
	v8 =	vld [tilespmem:s10+$0x10]  }
0x52: {  	[tilespmem:s8+$0xFFFFFFE0] =	vst v10;
	vm14 =	vgt.s32 v7, $0x0;
	v7 =	vsel vm12, v5, v2  }
0x53: {  	v10 =	vsel vm14, v3, v0;
	[tilespmem:s9+$0xFFFFFFE0] =	vst v7  }
0x54: {  	vm3 =	vgt.s32 v9, $0x0;
	vm15 =	vgt.s32 v6, $0x0;
	v6 =	vsel vm14, v4, v1;
	[tilespmem:s6+$0xFFFFFFF0] =	vst v10  }
0x55: {  	v9 =	vsel vm3, v3, v0;
	v7 =	vsel vm14, v5, v2;
	[tilespmem:s8+$0xFFFFFFF0] =	vst v6  }
0x56: {  	vm2 =	vgt.s32 v8, $0x0;
	v13 =	vsel vm15, v4, v1;
	v6 =	vsel vm15, v3, v0;
	[tilespmem:s9+$0xFFFFFFF0] =	vst v7  }
0x57: {  	v12 =	vsel vm15, v5, v2;
	v11 =	vsel vm2, v3, v0;
	v10 =	vsel vm2, v4, v1;
	[tilespmem:s6+$0x0] =	vst v6  }
0x58: {  	s11 =	simm.s32 $0x140;
	s10 =	simm.s32 $0x0;
	v8 =	vsel vm2, v5, v2;
	v7 =	vsel vm3, v4, v1;
	v6 =	vsel vm3, v5, v2;
	[tilespmem:s8+$0x0] =	vst v13  }
.LBB2_2:
0x59: {  	v13 =	vld [tilespmem:s11+$0x30];
	[tilespmem:s9+$0x0] =	vst v12  }
0x5a: {  	v12 =	vld [tilespmem:s11+$0xFFFFFFD0];
	[tilespmem:s6+$0x10] =	vst v11  }
0x5b: {  	s10 =	sadd.s32 $0x8, s10;
	v11 =	vld [tilespmem:s11+$0xFFFFFFE0];
	[tilespmem:s8+$0x10] =	vst v10  }
0x5c: {  	p0 =	slt.u32 s10, $0x278;
	v10 =	vld [tilespmem:s11+$0xFFFFFFF0];
	[tilespmem:s9+$0x10] =	vst v8  }
0x5d: {  	v8 =	vld [tilespmem:s11+$0x0];
	[tilespmem:s6+$0x20] =	vst v9  }
0x5e: {  	v9 =	vld [tilespmem:s11+$0x10];
	vm0 =	vgt.s32 v13, $0x0;
	[tilespmem:s8+$0x20] =	vst v7  }
0x5f: {  	s6 =	sadd.s32 $0x80, s6;
	vm1 =	vgt.s32 v12, $0x0;
	v7 =	vld [tilespmem:s11+$0x20];
	v12 =	vsel vm0, v3, v0;
	[tilespmem:s9+$0x20] =	vst v6  }
0x60: {  	s8 =	sadd.s32 $0x80, s8;
	v6 =	vld [tilespmem:s11+$0xFFFFFFC0];
	v13 =	vsel vm1, v3, v0;
	vm2 =	vgt.s32 v11, $0x0;
	[tilespmem:s6+$0x30] =	vst v12;
	v11 =	vsel vm0, v4, v1  }
0x61: {  	s9 =	sadd.s32 $0x80, s9;
	v12 =	vsel vm1, v4, v1;
	vm3 =	vgt.s32 v10, $0x0;
	[tilespmem:s8+$0x30] =	vst v11;
	v10 =	vsel vm0, v5, v2  }
0x62: {  	v11 =	vsel vm1, v5, v2;
	v14 =	vsel vm2, v3, v0;
	vm0 =	vgt.s32 v8, $0x0;
	[tilespmem:s9+$0x30] =	vst v10  }
0x63: {  	v15 =	vsel vm2, v5, v2;
	[tilespmem:s6+$0xFFFFFFD0] =	vst v13;
	v13 =	vsel vm2, v4, v1;
	vm1 =	vgt.s32 v9, $0x0  }
0x64: {  	v16 =	vsel vm3, v3, v0;
	v17 =	vsel vm3, v4, v1;
	[tilespmem:s8+$0xFFFFFFD0] =	vst v12;
	vm2 =	vgt.s32 v7, $0x0  }
0x65: {  	v18 =	vsel vm3, v5, v2;
	v19 =	vsel vm0, v3, v0;
	vm4 =	vgt.s32 v6, $0x0;
	[tilespmem:s9+$0xFFFFFFD0] =	vst v11  }
0x66: {  	v6 =	vsel vm4, v3, v0;
	v7 =	vsel vm4, v4, v1;
	v20 =	vsel vm4, v5, v2;
	[tilespmem:s6+$0xFFFFFFE0] =	vst v14  }
0x67: {  	v12 =	vsel vm0, v5, v2;
	v11 =	vsel vm1, v3, v0;
	v14 =	vsel vm0, v4, v1;
	[tilespmem:s6+$0xFFFFFFC0] =	vst v6  }
0x68: {  	v10 =	vsel vm1, v4, v1;
	v8 =	vsel vm1, v5, v2;
	v9 =	vsel vm2, v3, v0;
	[tilespmem:s8+$0xFFFFFFC0] =	vst v7  }
0x69: {  	v6 =	vsel vm2, v5, v2;
	v7 =	vsel vm2, v4, v1;
	[tilespmem:s9+$0xFFFFFFC0] =	vst v20  }
0x6a: {  	[tilespmem:s8+$0xFFFFFFE0] =	vst v13  }
0x6b: {  	[tilespmem:s9+$0xFFFFFFE0] =	vst v15  }
.Ltmp0:
0x6c: {  	[tilespmem:s6+$0xFFFFFFF0] =	vst v16;
	(pc) =	sbr.rel @p0 .LBB2_2-.Ltmp0, $4  }
0x6d: {  	[tilespmem:s8+$0xFFFFFFF0] =	vst v17  }
0x6e: {  	[tilespmem:s9+$0xFFFFFFF0] =	vst v18  }
0x6f: {  	[tilespmem:s6+$0x0] =	vst v19  }
0x70: {  	s11 =	sadd.s32 $0x80, s11;
	[tilespmem:s8+$0x0] =	vst v14  }
0x71: {  	[tilespmem:s9+$0x0] =	vst v12  }
0x72: {  	[tilespmem:s6+$0x10] =	vst v11  }
0x73: {  	[tilespmem:s6+$0x20] =	vst v9  }
0x74: {  	[tilespmem:s8+$0x10] =	vst v10  }
0x75: {  	[tilespmem:s8+$0x20] =	vst v7  }
0x76: {  	[tilespmem:s9+$0x10] =	vst v8  }
0x77: {  	[tilespmem:s9+$0x20] =	vst v6  }
0x78: {  	[hbm4b:s7+s2] =	stream.linear.scatter [tilespmem:s21], [sflag:$0x4], $0x2800, $0x38;
	[tilespmem:$0x1E080] =	vst v63  }
0x79: {  	s6 =	rddreg [dreg:$0x18]  }
0x7a: {  	[hbm4b:s6+s2] =	stream.linear.scatter [tilespmem:s22], [sflag:$0x4], $0x2800, $0x38;
	[tilespmem:$0x1E080] =	vst v63  }
0x7b: {  	s10 =	rddreg [dreg:$0x1a]  }
0x7c: {  	[hbm4b:s10+s2] =	stream.linear.scatter [tilespmem:s23], [sflag:$0x4], $0x2800, $0x38;
	[tilespmem:$0x1E080] =	vst v63  }
0x7d: {  	s11 =	rddreg [dreg:$0x8]  }
0x7e: {  	[tilespmem:s17], [sflag:$0x1] =	stream.linear.gather [hbm4b:s11+s2], $0x2800, $0x38;
	[tilespmem:$0x1E080] =	vst v63  }
0x7f: {  	_ =	swait.ge [sflag:s24], $0x2800  }
0x80: {  	[sflag:s24] =	ssyncset.done $0x0  }
0x81: {  	s10 =	simm.s32 $0x28C0;
	[sflag:s24] =	ssyncadd.s32 $0xFFFFD800  }
0x82: {  	v6 =	vld [tilespmem:s10+$0x30]  }
0x83: {  	v9 =	vld [tilespmem:s10+$0xFFFFFFC0];
	_ =	sdelay $0x2  }
0x84: {  	v7 =	vld [tilespmem:s10+$0xFFFFFFD0]  }
0x85: {  	vm0 =	vgt.s32 v6, $0x0  }
0x86: {  	s6 =	simm.s32 $0xF0C0;
	vm13 =	vgt.s32 v9, $0x0;
	v8 =	vsel vm0, v3, v0  }
0x87: {  	v9 =	vsel vm13, v3, v0;
	[tilespmem:s6+$0x30] =	vst v8  }
0x88: {  	s8 =	simm.s32 $0x118C0;
	v6 =	vld [tilespmem:s10+$0xFFFFFFE0];
	v8 =	vsel vm0, v4, v1;
	[tilespmem:s6+$0xFFFFFFC0] =	vst v9  }
0x89: {  	s9 =	simm.s32 $0x140C0;
	vm1 =	vgt.s32 v7, $0x0;
	v7 =	vsel vm0, v5, v2;
	[tilespmem:s8+$0x30] =	vst v8  }
0x8a: {  	v8 =	vsel vm1, v3, v0;
	[tilespmem:s9+$0x30] =	vst v7  }
0x8b: {  	v7 =	vsel vm1, v4, v1;
	[tilespmem:s6+$0xFFFFFFD0] =	vst v8  }
0x8c: {  	v10 =	vsel vm13, v4, v1;
	[tilespmem:s8+$0xFFFFFFD0] =	vst v7;
	v7 =	vld [tilespmem:s10+$0xFFFFFFF0]  }
0x8d: {  	v9 =	vld [tilespmem:s10+$0x20];
	[tilespmem:s8+$0xFFFFFFC0] =	vst v10;
	vm12 =	vgt.s32 v6, $0x0;
	v6 =	vsel vm1, v5, v2  }
0x8e: {  	v11 =	vsel vm13, v5, v2;
	[tilespmem:s9+$0xFFFFFFD0] =	vst v6;
	v6 =	vld [tilespmem:s10+$0x0]  }
0x8f: {  	[tilespmem:s9+$0xFFFFFFC0] =	vst v11;
	v8 =	vsel vm12, v3, v0  }
0x90: {  	v10 =	vsel vm12, v4, v1;
	[tilespmem:s6+$0xFFFFFFE0] =	vst v8;
	v8 =	vld [tilespmem:s10+$0x10]  }
0x91: {  	[tilespmem:s8+$0xFFFFFFE0] =	vst v10;
	vm14 =	vgt.s32 v7, $0x0;
	v7 =	vsel vm12, v5, v2  }
0x92: {  	v10 =	vsel vm14, v3, v0;
	[tilespmem:s9+$0xFFFFFFE0] =	vst v7  }
0x93: {  	vm3 =	vgt.s32 v9, $0x0;
	vm15 =	vgt.s32 v6, $0x0;
	v6 =	vsel vm14, v4, v1;
	[tilespmem:s6+$0xFFFFFFF0] =	vst v10  }
0x94: {  	v9 =	vsel vm3, v3, v0;
	v7 =	vsel vm14, v5, v2;
	[tilespmem:s8+$0xFFFFFFF0] =	vst v6  }
0x95: {  	vm2 =	vgt.s32 v8, $0x0;
	v13 =	vsel vm15, v4, v1;
	v6 =	vsel vm15, v3, v0;
	[tilespmem:s9+$0xFFFFFFF0] =	vst v7  }
0x96: {  	v12 =	vsel vm15, v5, v2;
	v11 =	vsel vm2, v3, v0;
	v10 =	vsel vm2, v4, v1;
	[tilespmem:s6+$0x0] =	vst v6  }
0x97: {  	s11 =	simm.s32 $0x2940;
	s10 =	simm.s32 $0x0;
	v8 =	vsel vm2, v5, v2;
	v7 =	vsel vm3, v4, v1;
	v6 =	vsel vm3, v5, v2;
	[tilespmem:s8+$0x0] =	vst v13  }
.LBB2_4:
0x98: {  	v13 =	vld [tilespmem:s11+$0x30];
	[tilespmem:s9+$0x0] =	vst v12  }
0x99: {  	v12 =	vld [tilespmem:s11+$0xFFFFFFD0];
	[tilespmem:s6+$0x10] =	vst v11  }
0x9a: {  	s10 =	sadd.s32 $0x8, s10;
	v11 =	vld [tilespmem:s11+$0xFFFFFFE0];
	[tilespmem:s8+$0x10] =	vst v10  }
0x9b: {  	p0 =	slt.u32 s10, $0x278;
	v10 =	vld [tilespmem:s11+$0xFFFFFFF0];
	[tilespmem:s9+$0x10] =	vst v8  }
0x9c: {  	v8 =	vld [tilespmem:s11+$0x0];
	[tilespmem:s6+$0x20] =	vst v9  }
0x9d: {  	v9 =	vld [tilespmem:s11+$0x10];
	vm0 =	vgt.s32 v13, $0x0;
	[tilespmem:s8+$0x20] =	vst v7  }
0x9e: {  	s6 =	sadd.s32 $0x80, s6;
	vm1 =	vgt.s32 v12, $0x0;
	v7 =	vld [tilespmem:s11+$0x20];
	v12 =	vsel vm0, v3, v0;
	[tilespmem:s9+$0x20] =	vst v6  }
0x9f: {  	s8 =	sadd.s32 $0x80, s8;
	v6 =	vld [tilespmem:s11+$0xFFFFFFC0];
	v13 =	vsel vm1, v3, v0;
	vm2 =	vgt.s32 v11, $0x0;
	[tilespmem:s6+$0x30] =	vst v12;
	v11 =	vsel vm0, v4, v1  }
0xa0: {  	s9 =	sadd.s32 $0x80, s9;
	v12 =	vsel vm1, v4, v1;
	vm3 =	vgt.s32 v10, $0x0;
	[tilespmem:s8+$0x30] =	vst v11;
	v10 =	vsel vm0, v5, v2  }
0xa1: {  	v11 =	vsel vm1, v5, v2;
	v14 =	vsel vm2, v3, v0;
	vm0 =	vgt.s32 v8, $0x0;
	[tilespmem:s9+$0x30] =	vst v10  }
0xa2: {  	v15 =	vsel vm2, v5, v2;
	[tilespmem:s6+$0xFFFFFFD0] =	vst v13;
	v13 =	vsel vm2, v4, v1;
	vm1 =	vgt.s32 v9, $0x0  }
0xa3: {  	v16 =	vsel vm3, v3, v0;
	v17 =	vsel vm3, v4, v1;
	[tilespmem:s8+$0xFFFFFFD0] =	vst v12;
	vm2 =	vgt.s32 v7, $0x0  }
0xa4: {  	v18 =	vsel vm3, v5, v2;
	v19 =	vsel vm0, v3, v0;
	vm4 =	vgt.s32 v6, $0x0;
	[tilespmem:s9+$0xFFFFFFD0] =	vst v11  }
0xa5: {  	v6 =	vsel vm4, v3, v0;
	v7 =	vsel vm4, v4, v1;
	v20 =	vsel vm4, v5, v2;
	[tilespmem:s6+$0xFFFFFFE0] =	vst v14  }
0xa6: {  	v12 =	vsel vm0, v5, v2;
	v11 =	vsel vm1, v3, v0;
	v14 =	vsel vm0, v4, v1;
	[tilespmem:s6+$0xFFFFFFC0] =	vst v6  }
0xa7: {  	v10 =	vsel vm1, v4, v1;
	v8 =	vsel vm1, v5, v2;
	v9 =	vsel vm2, v3, v0;
	[tilespmem:s8+$0xFFFFFFC0] =	vst v7  }
0xa8: {  	v6 =	vsel vm2, v5, v2;
	v7 =	vsel vm2, v4, v1;
	[tilespmem:s9+$0xFFFFFFC0] =	vst v20  }
0xa9: {  	[tilespmem:s8+$0xFFFFFFE0] =	vst v13  }
0xaa: {  	[tilespmem:s9+$0xFFFFFFE0] =	vst v15  }
.Ltmp1:
0xab: {  	[tilespmem:s6+$0xFFFFFFF0] =	vst v16;
	(pc) =	sbr.rel @p0 .LBB2_4-.Ltmp1, $4  }
0xac: {  	[tilespmem:s8+$0xFFFFFFF0] =	vst v17  }
0xad: {  	[tilespmem:s9+$0xFFFFFFF0] =	vst v18  }
0xae: {  	[tilespmem:s6+$0x0] =	vst v19  }
0xaf: {  	s11 =	sadd.s32 $0x80, s11;
	[tilespmem:s8+$0x0] =	vst v14  }
0xb0: {  	[tilespmem:s9+$0x0] =	vst v12  }
0xb1: {  	[tilespmem:s6+$0x10] =	vst v11  }
0xb2: {  	[tilespmem:s6+$0x20] =	vst v9  }
0xb3: {  	[tilespmem:s8+$0x10] =	vst v10  }
0xb4: {  	[tilespmem:s8+$0x20] =	vst v7  }
0xb5: {  	[tilespmem:s9+$0x10] =	vst v8  }
0xb6: {  	[tilespmem:s9+$0x20] =	vst v6  }
0xb7: {  	s6 =	rddreg [dreg:$0x9]  }
0xb8: {  	[hbm4b:s6+s2] =	stream.linear.scatter [tilespmem:s25], [sflag:$0x5], $0x2800, $0x38;
	[tilespmem:$0x1E080] =	vst v63  }
0xb9: {  	s9 =	rddreg [dreg:$0x1b]  }
0xba: {  	[hbm4b:s9+s2] =	stream.linear.scatter [tilespmem:s26], [sflag:$0x5], $0x2800, $0x38;
	[tilespmem:$0x1E080] =	vst v63  }
0xbb: {  	s10 =	rddreg [dreg:$0x1c]  }
0xbc: {  	[hbm4b:s10+s2] =	stream.linear.scatter [tilespmem:s28], [sflag:$0x5], $0x2800, $0x38;
	[tilespmem:$0x1E080] =	vst v63  }
0xbd: {  	s11 =	rddreg [dreg:$0xa]  }
0xbe: {  	[tilespmem:s18], [sflag:$0x2] =	stream.linear.gather [hbm4b:s11+s2], $0x2800, $0x38;
	[tilespmem:$0x1E080] =	vst v63  }
0xbf: {  	_ =	swait.ge [sflag:s29], $0x2800  }
0xc0: {  	[sflag:s29] =	ssyncset.done $0x0  }
0xc1: {  	s10 =	simm.s32 $0x50C0;
	[sflag:s29] =	ssyncadd.s32 $0xFFFFD800  }
0xc2: {  	v6 =	vld [tilespmem:s10+$0x30]  }
0xc3: {  	v9 =	vld [tilespmem:s10+$0xFFFFFFC0];
	_ =	sdelay $0x2  }
0xc4: {  	v7 =	vld [tilespmem:s10+$0xFFFFFFD0]  }
0xc5: {  	vm0 =	vgt.s32 v6, $0x0  }
0xc6: {  	s6 =	simm.s32 $0x168C0;
	vm13 =	vgt.s32 v9, $0x0;
	v8 =	vsel vm0, v3, v0  }
0xc7: {  	v9 =	vsel vm13, v3, v0;
	[tilespmem:s6+$0x30] =	vst v8  }
0xc8: {  	s8 =	simm.s32 $0x190C0;
	v6 =	vld [tilespmem:s10+$0xFFFFFFE0];
	v8 =	vsel vm0, v4, v1;
	[tilespmem:s6+$0xFFFFFFC0] =	vst v9  }
0xc9: {  	s9 =	simm.s32 $0x1B8C0;
	vm1 =	vgt.s32 v7, $0x0;
	v7 =	vsel vm0, v5, v2;
	[tilespmem:s8+$0x30] =	vst v8  }
0xca: {  	v8 =	vsel vm1, v3, v0;
	[tilespmem:s9+$0x30] =	vst v7  }
0xcb: {  	v7 =	vsel vm1, v4, v1;
	[tilespmem:s6+$0xFFFFFFD0] =	vst v8  }
0xcc: {  	v10 =	vsel vm13, v4, v1;
	[tilespmem:s8+$0xFFFFFFD0] =	vst v7;
	v7 =	vld [tilespmem:s10+$0xFFFFFFF0]  }
0xcd: {  	v9 =	vld [tilespmem:s10+$0x20];
	[tilespmem:s8+$0xFFFFFFC0] =	vst v10;
	vm12 =	vgt.s32 v6, $0x0;
	v6 =	vsel vm1, v5, v2  }
0xce: {  	v11 =	vsel vm13, v5, v2;
	[tilespmem:s9+$0xFFFFFFD0] =	vst v6;
	v6 =	vld [tilespmem:s10+$0x0]  }
0xcf: {  	[tilespmem:s9+$0xFFFFFFC0] =	vst v11;
	v8 =	vsel vm12, v3, v0  }
0xd0: {  	v10 =	vsel vm12, v4, v1;
	[tilespmem:s6+$0xFFFFFFE0] =	vst v8;
	v8 =	vld [tilespmem:s10+$0x10]  }
0xd1: {  	[tilespmem:s8+$0xFFFFFFE0] =	vst v10;
	vm14 =	vgt.s32 v7, $0x0;
	v7 =	vsel vm12, v5, v2  }
0xd2: {  	v10 =	vsel vm14, v3, v0;
	[tilespmem:s9+$0xFFFFFFE0] =	vst v7  }
0xd3: {  	vm3 =	vgt.s32 v9, $0x0;
	vm15 =	vgt.s32 v6, $0x0;
	v6 =	vsel vm14, v4, v1;
	[tilespmem:s6+$0xFFFFFFF0] =	vst v10  }
0xd4: {  	v9 =	vsel vm3, v3, v0;
	v7 =	vsel vm14, v5, v2;
	[tilespmem:s8+$0xFFFFFFF0] =	vst v6  }
0xd5: {  	vm2 =	vgt.s32 v8, $0x0;
	v13 =	vsel vm15, v4, v1;
	v6 =	vsel vm15, v3, v0;
	[tilespmem:s9+$0xFFFFFFF0] =	vst v7  }
0xd6: {  	v12 =	vsel vm15, v5, v2;
	v11 =	vsel vm2, v3, v0;
	v10 =	vsel vm2, v4, v1;
	[tilespmem:s6+$0x0] =	vst v6  }
0xd7: {  	s11 =	simm.s32 $0x5140;
	s10 =	simm.s32 $0x0;
	v8 =	vsel vm2, v5, v2;
	v7 =	vsel vm3, v4, v1;
	v6 =	vsel vm3, v5, v2;
	[tilespmem:s8+$0x0] =	vst v13  }
.LBB2_6:
0xd8: {  	v13 =	vld [tilespmem:s11+$0x30];
	[tilespmem:s9+$0x0] =	vst v12  }
0xd9: {  	v12 =	vld [tilespmem:s11+$0xFFFFFFD0];
	[tilespmem:s6+$0x10] =	vst v11  }
0xda: {  	s10 =	sadd.s32 $0x8, s10;
	v11 =	vld [tilespmem:s11+$0xFFFFFFE0];
	[tilespmem:s8+$0x10] =	vst v10  }
0xdb: {  	p0 =	slt.u32 s10, $0x278;
	v10 =	vld [tilespmem:s11+$0xFFFFFFF0];
	[tilespmem:s9+$0x10] =	vst v8  }
0xdc: {  	v8 =	vld [tilespmem:s11+$0x0];
	[tilespmem:s6+$0x20] =	vst v9  }
0xdd: {  	v9 =	vld [tilespmem:s11+$0x10];
	vm0 =	vgt.s32 v13, $0x0;
	[tilespmem:s8+$0x20] =	vst v7  }
0xde: {  	s6 =	sadd.s32 $0x80, s6;
	vm1 =	vgt.s32 v12, $0x0;
	v7 =	vld [tilespmem:s11+$0x20];
	v12 =	vsel vm0, v3, v0;
	[tilespmem:s9+$0x20] =	vst v6  }
0xdf: {  	s8 =	sadd.s32 $0x80, s8;
	v6 =	vld [tilespmem:s11+$0xFFFFFFC0];
	v13 =	vsel vm1, v3, v0;
	vm2 =	vgt.s32 v11, $0x0;
	[tilespmem:s6+$0x30] =	vst v12;
	v11 =	vsel vm0, v4, v1  }
0xe0: {  	s9 =	sadd.s32 $0x80, s9;
	v12 =	vsel vm1, v4, v1;
	vm3 =	vgt.s32 v10, $0x0;
	[tilespmem:s8+$0x30] =	vst v11;
	v10 =	vsel vm0, v5, v2  }
0xe1: {  	v11 =	vsel vm1, v5, v2;
	v14 =	vsel vm2, v3, v0;
	vm0 =	vgt.s32 v8, $0x0;
	[tilespmem:s9+$0x30] =	vst v10  }
0xe2: {  	v15 =	vsel vm2, v5, v2;
	[tilespmem:s6+$0xFFFFFFD0] =	vst v13;
	v13 =	vsel vm2, v4, v1;
	vm1 =	vgt.s32 v9, $0x0  }
0xe3: {  	v16 =	vsel vm3, v3, v0;
	v17 =	vsel vm3, v4, v1;
	[tilespmem:s8+$0xFFFFFFD0] =	vst v12;
	vm2 =	vgt.s32 v7, $0x0  }
0xe4: {  	v18 =	vsel vm3, v5, v2;
	v19 =	vsel vm0, v3, v0;
	vm4 =	vgt.s32 v6, $0x0;
	[tilespmem:s9+$0xFFFFFFD0] =	vst v11  }
0xe5: {  	v6 =	vsel vm4, v3, v0;
	v7 =	vsel vm4, v4, v1;
	v20 =	vsel vm4, v5, v2;
	[tilespmem:s6+$0xFFFFFFE0] =	vst v14  }
0xe6: {  	v12 =	vsel vm0, v5, v2;
	v11 =	vsel vm1, v3, v0;
	v14 =	vsel vm0, v4, v1;
	[tilespmem:s6+$0xFFFFFFC0] =	vst v6  }
0xe7: {  	v10 =	vsel vm1, v4, v1;
	v8 =	vsel vm1, v5, v2;
	v9 =	vsel vm2, v3, v0;
	[tilespmem:s8+$0xFFFFFFC0] =	vst v7  }
0xe8: {  	v6 =	vsel vm2, v5, v2;
	v7 =	vsel vm2, v4, v1;
	[tilespmem:s9+$0xFFFFFFC0] =	vst v20  }
0xe9: {  	[tilespmem:s8+$0xFFFFFFE0] =	vst v13  }
0xea: {  	[tilespmem:s9+$0xFFFFFFE0] =	vst v15  }
.Ltmp2:
0xeb: {  	[tilespmem:s6+$0xFFFFFFF0] =	vst v16;
	(pc) =	sbr.rel @p0 .LBB2_6-.Ltmp2, $4  }
0xec: {  	[tilespmem:s8+$0xFFFFFFF0] =	vst v17  }
0xed: {  	[tilespmem:s9+$0xFFFFFFF0] =	vst v18  }
0xee: {  	[tilespmem:s6+$0x0] =	vst v19  }
0xef: {  	s11 =	sadd.s32 $0x80, s11;
	[tilespmem:s8+$0x0] =	vst v14  }
0xf0: {  	[tilespmem:s9+$0x0] =	vst v12  }
0xf1: {  	[tilespmem:s6+$0x10] =	vst v11  }
0xf2: {  	[tilespmem:s6+$0x20] =	vst v9  }
0xf3: {  	[tilespmem:s8+$0x10] =	vst v10  }
0xf4: {  	[tilespmem:s8+$0x20] =	vst v7  }
0xf5: {  	[tilespmem:s9+$0x10] =	vst v8  }
0xf6: {  	[tilespmem:s9+$0x20] =	vst v6  }
0xf7: {  	s6 =	rddreg [dreg:$0xb]  }
0xf8: {  	[hbm4b:s6+s2] =	stream.linear.scatter [tilespmem:s30], [sflag:$0x6], $0x2800, $0x38;
	[tilespmem:$0x1E080] =	vst v63  }
0xf9: {  	s9 =	rddreg [dreg:$0x1d]  }
0xfa: {  	[hbm4b:s9+s2] =	stream.linear.scatter [tilespmem:s31], [sflag:$0x6], $0x2800, $0x38;
	[tilespmem:$0x1E080] =	vst v63  }
0xfb: {  	s10 =	rddreg [dreg:$0x1e]  }
0xfc: {  	[hbm4b:s10+s2] =	stream.linear.scatter [tilespmem:s1], [sflag:$0x6], $0x2800, $0x38;
	[tilespmem:$0x1E080] =	vst v63  }
0xfd: {  	s11 =	rddreg [dreg:$0xc]  }
0xfe: {  	[tilespmem:s19], [sflag:$0x3] =	stream.linear.gather [hbm4b:s11+s2], $0x2800, $0x38;
	[tilespmem:$0x1E080] =	vst v63  }
0xff: {  	_ =	swait.ge [sflag:s20], $0x2800  }
0x100: {  	[sflag:s20] =	ssyncset.done $0x0  }
0x101: {  	[sflag:s20] =	ssyncadd.s32 $0xFFFFD800  }
0x102: {  	_ =	swait.ge [sflag:s0], $0x2800  }
0x103: {  	[sflag:s0] =	ssyncset.done $0x0  }
0x104: {  	[sflag:s0] =	ssyncadd.s32 $0xFFFFD800  }
0x105: {  	_ =	swait.ge [sflag:s0], $0x2800  }
0x106: {  	[sflag:s0] =	ssyncset.done $0x0  }
0x107: {  	[sflag:s0] =	ssyncadd.s32 $0xFFFFD800  }
0x108: {  	_ =	swait.ge [sflag:s0], $0x2800  }
0x109: {  	[sflag:s0] =	ssyncset.done $0x0  }
0x10a: {  	s10 =	simm.s32 $0xC0;
	[sflag:s0] =	ssyncadd.s32 $0xFFFFD800  }
0x10b: {  	v6 =	vld [tilespmem:s10+$0x30]  }
0x10c: {  	v9 =	vld [tilespmem:s10+$0xFFFFFFC0];
	_ =	sdelay $0x2  }
0x10d: {  	v7 =	vld [tilespmem:s10+$0xFFFFFFD0]  }
0x10e: {  	vm0 =	vgt.s32 v6, $0x0  }
0x10f: {  	s6 =	simm.s32 $0x78C0;
	vm13 =	vgt.s32 v9, $0x0;
	v8 =	vsel vm0, v3, v0  }
0x110: {  	v9 =	vsel vm13, v3, v0;
	[tilespmem:s6+$0x30] =	vst v8  }
0x111: {  	s8 =	simm.s32 $0xA0C0;
	v6 =	vld [tilespmem:s10+$0xFFFFFFE0];
	v8 =	vsel vm0, v4, v1;
	[tilespmem:s6+$0xFFFFFFC0] =	vst v9  }
0x112: {  	s9 =	simm.s32 $0xC8C0;
	vm1 =	vgt.s32 v7, $0x0;
	v7 =	vsel vm0, v5, v2;
	[tilespmem:s8+$0x30] =	vst v8  }
0x113: {  	v8 =	vsel vm1, v3, v0;
	[tilespmem:s9+$0x30] =	vst v7  }
0x114: {  	v7 =	vsel vm1, v4, v1;
	[tilespmem:s6+$0xFFFFFFD0] =	vst v8  }
0x115: {  	v10 =	vsel vm13, v4, v1;
	[tilespmem:s8+$0xFFFFFFD0] =	vst v7;
	v7 =	vld [tilespmem:s10+$0xFFFFFFF0]  }
0x116: {  	v9 =	vld [tilespmem:s10+$0x20];
	[tilespmem:s8+$0xFFFFFFC0] =	vst v10;
	vm12 =	vgt.s32 v6, $0x0;
	v6 =	vsel vm1, v5, v2  }
0x117: {  	v11 =	vsel vm13, v5, v2;
	[tilespmem:s9+$0xFFFFFFD0] =	vst v6;
	v6 =	vld [tilespmem:s10+$0x0]  }
0x118: {  	[tilespmem:s9+$0xFFFFFFC0] =	vst v11;
	v8 =	vsel vm12, v3, v0  }
0x119: {  	v10 =	vsel vm12, v4, v1;
	[tilespmem:s6+$0xFFFFFFE0] =	vst v8;
	v8 =	vld [tilespmem:s10+$0x10]  }
0x11a: {  	[tilespmem:s8+$0xFFFFFFE0] =	vst v10;
	vm14 =	vgt.s32 v7, $0x0;
	v7 =	vsel vm12, v5, v2  }
0x11b: {  	v10 =	vsel vm14, v3, v0;
	[tilespmem:s9+$0xFFFFFFE0] =	vst v7  }
0x11c: {  	vm3 =	vgt.s32 v9, $0x0;
	vm15 =	vgt.s32 v6, $0x0;
	v6 =	vsel vm14, v4, v1;
	[tilespmem:s6+$0xFFFFFFF0] =	vst v10  }
0x11d: {  	v9 =	vsel vm3, v3, v0;
	v7 =	vsel vm14, v5, v2;
	[tilespmem:s8+$0xFFFFFFF0] =	vst v6  }
0x11e: {  	vm2 =	vgt.s32 v8, $0x0;
	v13 =	vsel vm15, v4, v1;
	v6 =	vsel vm15, v3, v0;
	[tilespmem:s9+$0xFFFFFFF0] =	vst v7  }
0x11f: {  	v12 =	vsel vm15, v5, v2;
	v11 =	vsel vm2, v3, v0;
	v10 =	vsel vm2, v4, v1;
	[tilespmem:s6+$0x0] =	vst v6  }
0x120: {  	s11 =	simm.s32 $0x140;
	s10 =	simm.s32 $0x0;
	v8 =	vsel vm2, v5, v2;
	v7 =	vsel vm3, v4, v1;
	v6 =	vsel vm3, v5, v2;
	[tilespmem:s8+$0x0] =	vst v13  }
.LBB2_8:
0x121: {  	v13 =	vld [tilespmem:s11+$0x30];
	[tilespmem:s9+$0x0] =	vst v12  }
0x122: {  	v12 =	vld [tilespmem:s11+$0xFFFFFFD0];
	[tilespmem:s6+$0x10] =	vst v11  }
0x123: {  	s10 =	sadd.s32 $0x8, s10;
	v11 =	vld [tilespmem:s11+$0xFFFFFFE0];
	[tilespmem:s8+$0x10] =	vst v10  }
0x124: {  	p0 =	slt.u32 s10, $0x278;
	v10 =	vld [tilespmem:s11+$0xFFFFFFF0];
	[tilespmem:s9+$0x10] =	vst v8  }
0x125: {  	v8 =	vld [tilespmem:s11+$0x0];
	[tilespmem:s6+$0x20] =	vst v9  }
0x126: {  	v9 =	vld [tilespmem:s11+$0x10];
	vm0 =	vgt.s32 v13, $0x0;
	[tilespmem:s8+$0x20] =	vst v7  }
0x127: {  	s6 =	sadd.s32 $0x80, s6;
	vm1 =	vgt.s32 v12, $0x0;
	v7 =	vld [tilespmem:s11+$0x20];
	v12 =	vsel vm0, v3, v0;
	[tilespmem:s9+$0x20] =	vst v6  }
0x128: {  	s8 =	sadd.s32 $0x80, s8;
	v6 =	vld [tilespmem:s11+$0xFFFFFFC0];
	v13 =	vsel vm1, v3, v0;
	vm2 =	vgt.s32 v11, $0x0;
	[tilespmem:s6+$0x30] =	vst v12;
	v11 =	vsel vm0, v4, v1  }
0x129: {  	s9 =	sadd.s32 $0x80, s9;
	v12 =	vsel vm1, v4, v1;
	vm3 =	vgt.s32 v10, $0x0;
	[tilespmem:s8+$0x30] =	vst v11;
	v10 =	vsel vm0, v5, v2  }
0x12a: {  	v11 =	vsel vm1, v5, v2;
	v14 =	vsel vm2, v3, v0;
	vm0 =	vgt.s32 v8, $0x0;
	[tilespmem:s9+$0x30] =	vst v10  }
0x12b: {  	v15 =	vsel vm2, v5, v2;
	[tilespmem:s6+$0xFFFFFFD0] =	vst v13;
	v13 =	vsel vm2, v4, v1;
	vm1 =	vgt.s32 v9, $0x0  }
0x12c: {  	v16 =	vsel vm3, v3, v0;
	v17 =	vsel vm3, v4, v1;
	[tilespmem:s8+$0xFFFFFFD0] =	vst v12;
	vm2 =	vgt.s32 v7, $0x0  }
0x12d: {  	v18 =	vsel vm3, v5, v2;
	v19 =	vsel vm0, v3, v0;
	vm4 =	vgt.s32 v6, $0x0;
	[tilespmem:s9+$0xFFFFFFD0] =	vst v11  }
0x12e: {  	v6 =	vsel vm4, v3, v0;
	v7 =	vsel vm4, v4, v1;
	v20 =	vsel vm4, v5, v2;
	[tilespmem:s6+$0xFFFFFFE0] =	vst v14  }
0x12f: {  	v12 =	vsel vm0, v5, v2;
	v11 =	vsel vm1, v3, v0;
	v14 =	vsel vm0, v4, v1;
	[tilespmem:s6+$0xFFFFFFC0] =	vst v6  }
0x130: {  	v10 =	vsel vm1, v4, v1;
	v8 =	vsel vm1, v5, v2;
	v9 =	vsel vm2, v3, v0;
	[tilespmem:s8+$0xFFFFFFC0] =	vst v7  }
0x131: {  	v6 =	vsel vm2, v5, v2;
	v7 =	vsel vm2, v4, v1;
	[tilespmem:s9+$0xFFFFFFC0] =	vst v20  }
0x132: {  	[tilespmem:s8+$0xFFFFFFE0] =	vst v13  }
0x133: {  	[tilespmem:s9+$0xFFFFFFE0] =	vst v15  }
.Ltmp3:
0x134: {  	[tilespmem:s6+$0xFFFFFFF0] =	vst v16;
	(pc) =	sbr.rel @p0 .LBB2_8-.Ltmp3, $4  }
0x135: {  	[tilespmem:s8+$0xFFFFFFF0] =	vst v17  }
0x136: {  	[tilespmem:s9+$0xFFFFFFF0] =	vst v18  }
0x137: {  	[tilespmem:s6+$0x0] =	vst v19  }
0x138: {  	s11 =	sadd.s32 $0x80, s11;
	[tilespmem:s8+$0x0] =	vst v14  }
0x139: {  	[tilespmem:s9+$0x0] =	vst v12  }
0x13a: {  	[tilespmem:s6+$0x10] =	vst v11  }
0x13b: {  	[tilespmem:s6+$0x20] =	vst v9  }
0x13c: {  	[tilespmem:s8+$0x10] =	vst v10  }
0x13d: {  	[tilespmem:s8+$0x20] =	vst v7  }
0x13e: {  	[tilespmem:s9+$0x10] =	vst v8  }
0x13f: {  	[tilespmem:s9+$0x20] =	vst v6  }
0x140: {  	s6 =	rddreg [dreg:$0xd]  }
0x141: {  	s9 =	rddreg [dreg:$0x1f]  }
0x142: {  	[hbm4b:s6+s2] =	stream.linear.scatter [tilespmem:s21], [sflag:$0x4], $0x2800, $0x38;
	[tilespmem:$0x1E080] =	vst v63  }
0x143: {  	s10 =	sld [smem:$0x7F5]  }
0x144: {  	[hbm4b:s9+s2] =	stream.linear.scatter [tilespmem:s22], [sflag:$0x4], $0x2800, $0x38;
	[tilespmem:$0x1E080] =	vst v63  }
0x145: {  	_ = 	snop  }
0x146: {  	[hbm4b:s10+s2] =	stream.linear.scatter [tilespmem:s23], [sflag:$0x4], $0x2800, $0x38;
	[tilespmem:$0x1E080] =	vst v63  }
0x147: {  	s11 =	rddreg [dreg:$0xe]  }
0x148: {  	[tilespmem:s17], [sflag:$0x1] =	stream.linear.gather [hbm4b:s11+s2], $0x2800, $0x38;
	[tilespmem:$0x1E080] =	vst v63  }
0x149: {  	_ =	swait.ge [sflag:s24], $0x2800  }
0x14a: {  	[sflag:s24] =	ssyncset.done $0x0  }
0x14b: {  	[sflag:s24] =	ssyncadd.s32 $0xFFFFD800  }
0x14c: {  	_ =	swait.ge [sflag:s3], $0x2800  }
0x14d: {  	[sflag:s3] =	ssyncset.done $0x0  }
0x14e: {  	[sflag:s3] =	ssyncadd.s32 $0xFFFFD800  }
0x14f: {  	_ =	swait.ge [sflag:s3], $0x2800  }
0x150: {  	[sflag:s3] =	ssyncset.done $0x0  }
0x151: {  	[sflag:s3] =	ssyncadd.s32 $0xFFFFD800  }
0x152: {  	_ =	swait.ge [sflag:s3], $0x2800  }
0x153: {  	[sflag:s3] =	ssyncset.done $0x0  }
0x154: {  	s10 =	simm.s32 $0x28C0;
	[sflag:s3] =	ssyncadd.s32 $0xFFFFD800  }
0x155: {  	v6 =	vld [tilespmem:s10+$0x30]  }
0x156: {  	v9 =	vld [tilespmem:s10+$0xFFFFFFC0];
	_ =	sdelay $0x2  }
0x157: {  	v7 =	vld [tilespmem:s10+$0xFFFFFFD0]  }
0x158: {  	vm0 =	vgt.s32 v6, $0x0  }
0x159: {  	s6 =	simm.s32 $0xF0C0;
	vm13 =	vgt.s32 v9, $0x0;
	v8 =	vsel vm0, v3, v0  }
0x15a: {  	v9 =	vsel vm13, v3, v0;
	[tilespmem:s6+$0x30] =	vst v8  }
0x15b: {  	s8 =	simm.s32 $0x118C0;
	v6 =	vld [tilespmem:s10+$0xFFFFFFE0];
	v8 =	vsel vm0, v4, v1;
	[tilespmem:s6+$0xFFFFFFC0] =	vst v9  }
0x15c: {  	s9 =	simm.s32 $0x140C0;
	vm1 =	vgt.s32 v7, $0x0;
	v7 =	vsel vm0, v5, v2;
	[tilespmem:s8+$0x30] =	vst v8  }
0x15d: {  	v8 =	vsel vm1, v3, v0;
	[tilespmem:s9+$0x30] =	vst v7  }
0x15e: {  	v7 =	vsel vm1, v4, v1;
	[tilespmem:s6+$0xFFFFFFD0] =	vst v8  }
0x15f: {  	v10 =	vsel vm13, v4, v1;
	[tilespmem:s8+$0xFFFFFFD0] =	vst v7;
	v7 =	vld [tilespmem:s10+$0xFFFFFFF0]  }
0x160: {  	v9 =	vld [tilespmem:s10+$0x20];
	[tilespmem:s8+$0xFFFFFFC0] =	vst v10;
	vm12 =	vgt.s32 v6, $0x0;
	v6 =	vsel vm1, v5, v2  }
0x161: {  	v11 =	vsel vm13, v5, v2;
	[tilespmem:s9+$0xFFFFFFD0] =	vst v6;
	v6 =	vld [tilespmem:s10+$0x0]  }
0x162: {  	[tilespmem:s9+$0xFFFFFFC0] =	vst v11;
	v8 =	vsel vm12, v3, v0  }
0x163: {  	v10 =	vsel vm12, v4, v1;
	[tilespmem:s6+$0xFFFFFFE0] =	vst v8;
	v8 =	vld [tilespmem:s10+$0x10]  }
0x164: {  	[tilespmem:s8+$0xFFFFFFE0] =	vst v10;
	vm14 =	vgt.s32 v7, $0x0;
	v7 =	vsel vm12, v5, v2  }
0x165: {  	v10 =	vsel vm14, v3, v0;
	[tilespmem:s9+$0xFFFFFFE0] =	vst v7  }
0x166: {  	vm3 =	vgt.s32 v9, $0x0;
	vm15 =	vgt.s32 v6, $0x0;
	v6 =	vsel vm14, v4, v1;
	[tilespmem:s6+$0xFFFFFFF0] =	vst v10  }
0x167: {  	v9 =	vsel vm3, v3, v0;
	v7 =	vsel vm14, v5, v2;
	[tilespmem:s8+$0xFFFFFFF0] =	vst v6  }
0x168: {  	vm2 =	vgt.s32 v8, $0x0;
	v13 =	vsel vm15, v4, v1;
	v6 =	vsel vm15, v3, v0;
	[tilespmem:s9+$0xFFFFFFF0] =	vst v7  }
0x169: {  	v12 =	vsel vm15, v5, v2;
	v11 =	vsel vm2, v3, v0;
	v10 =	vsel vm2, v4, v1;
	[tilespmem:s6+$0x0] =	vst v6  }
0x16a: {  	s11 =	simm.s32 $0x2940;
	s10 =	simm.s32 $0x0;
	v8 =	vsel vm2, v5, v2;
	v7 =	vsel vm3, v4, v1;
	v6 =	vsel vm3, v5, v2;
	[tilespmem:s8+$0x0] =	vst v13  }
.LBB2_10:
0x16b: {  	v13 =	vld [tilespmem:s11+$0x30];
	[tilespmem:s9+$0x0] =	vst v12  }
0x16c: {  	v12 =	vld [tilespmem:s11+$0xFFFFFFD0];
	[tilespmem:s6+$0x10] =	vst v11  }
0x16d: {  	s10 =	sadd.s32 $0x8, s10;
	v11 =	vld [tilespmem:s11+$0xFFFFFFE0];
	[tilespmem:s8+$0x10] =	vst v10  }
0x16e: {  	p0 =	slt.u32 s10, $0x278;
	v10 =	vld [tilespmem:s11+$0xFFFFFFF0];
	[tilespmem:s9+$0x10] =	vst v8  }
0x16f: {  	v8 =	vld [tilespmem:s11+$0x0];
	[tilespmem:s6+$0x20] =	vst v9  }
0x170: {  	v9 =	vld [tilespmem:s11+$0x10];
	vm0 =	vgt.s32 v13, $0x0;
	[tilespmem:s8+$0x20] =	vst v7  }
0x171: {  	s6 =	sadd.s32 $0x80, s6;
	vm1 =	vgt.s32 v12, $0x0;
	v7 =	vld [tilespmem:s11+$0x20];
	v12 =	vsel vm0, v3, v0;
	[tilespmem:s9+$0x20] =	vst v6  }
0x172: {  	s8 =	sadd.s32 $0x80, s8;
	v6 =	vld [tilespmem:s11+$0xFFFFFFC0];
	v13 =	vsel vm1, v3, v0;
	vm2 =	vgt.s32 v11, $0x0;
	[tilespmem:s6+$0x30] =	vst v12;
	v11 =	vsel vm0, v4, v1  }
0x173: {  	s9 =	sadd.s32 $0x80, s9;
	v12 =	vsel vm1, v4, v1;
	vm3 =	vgt.s32 v10, $0x0;
	[tilespmem:s8+$0x30] =	vst v11;
	v10 =	vsel vm0, v5, v2  }
0x174: {  	v11 =	vsel vm1, v5, v2;
	v14 =	vsel vm2, v3, v0;
	vm0 =	vgt.s32 v8, $0x0;
	[tilespmem:s9+$0x30] =	vst v10  }
0x175: {  	v15 =	vsel vm2, v5, v2;
	[tilespmem:s6+$0xFFFFFFD0] =	vst v13;
	v13 =	vsel vm2, v4, v1;
	vm1 =	vgt.s32 v9, $0x0  }
0x176: {  	v16 =	vsel vm3, v3, v0;
	v17 =	vsel vm3, v4, v1;
	[tilespmem:s8+$0xFFFFFFD0] =	vst v12;
	vm2 =	vgt.s32 v7, $0x0  }
0x177: {  	v18 =	vsel vm3, v5, v2;
	v19 =	vsel vm0, v3, v0;
	vm4 =	vgt.s32 v6, $0x0;
	[tilespmem:s9+$0xFFFFFFD0] =	vst v11  }
0x178: {  	v6 =	vsel vm4, v3, v0;
	v7 =	vsel vm4, v4, v1;
	v20 =	vsel vm4, v5, v2;
	[tilespmem:s6+$0xFFFFFFE0] =	vst v14  }
0x179: {  	v12 =	vsel vm0, v5, v2;
	v11 =	vsel vm1, v3, v0;
	v14 =	vsel vm0, v4, v1;
	[tilespmem:s6+$0xFFFFFFC0] =	vst v6  }
0x17a: {  	v10 =	vsel vm1, v4, v1;
	v8 =	vsel vm1, v5, v2;
	v9 =	vsel vm2, v3, v0;
	[tilespmem:s8+$0xFFFFFFC0] =	vst v7  }
0x17b: {  	v6 =	vsel vm2, v5, v2;
	v7 =	vsel vm2, v4, v1;
	[tilespmem:s9+$0xFFFFFFC0] =	vst v20  }
0x17c: {  	[tilespmem:s8+$0xFFFFFFE0] =	vst v13  }
0x17d: {  	[tilespmem:s9+$0xFFFFFFE0] =	vst v15  }
.Ltmp4:
0x17e: {  	[tilespmem:s6+$0xFFFFFFF0] =	vst v16;
	(pc) =	sbr.rel @p0 .LBB2_10-.Ltmp4, $4  }
0x17f: {  	[tilespmem:s8+$0xFFFFFFF0] =	vst v17  }
0x180: {  	[tilespmem:s9+$0xFFFFFFF0] =	vst v18  }
0x181: {  	[tilespmem:s6+$0x0] =	vst v19  }
0x182: {  	s11 =	sadd.s32 $0x80, s11;
	[tilespmem:s8+$0x0] =	vst v14  }
0x183: {  	[tilespmem:s9+$0x0] =	vst v12  }
0x184: {  	[tilespmem:s6+$0x10] =	vst v11  }
0x185: {  	[tilespmem:s6+$0x20] =	vst v9  }
0x186: {  	[tilespmem:s8+$0x10] =	vst v10  }
0x187: {  	[tilespmem:s8+$0x20] =	vst v7  }
0x188: {  	[tilespmem:s9+$0x10] =	vst v8  }
0x189: {  	[tilespmem:s9+$0x20] =	vst v6  }
0x18a: {  	s6 =	rddreg [dreg:$0xf]  }
0x18b: {  	s9 =	sld [smem:$0x7F6]  }
0x18c: {  	[hbm4b:s6+s2] =	stream.linear.scatter [tilespmem:s25], [sflag:$0x5], $0x2800, $0x38;
	[tilespmem:$0x1E080] =	vst v63  }
0x18d: {  	s10 =	sld [smem:$0x7F7]  }
0x18e: {  	[hbm4b:s9+s2] =	stream.linear.scatter [tilespmem:s26], [sflag:$0x5], $0x2800, $0x38;
	[tilespmem:$0x1E080] =	vst v63  }
0x18f: {  	_ = 	snop  }
0x190: {  	[hbm4b:s10+s2] =	stream.linear.scatter [tilespmem:s28], [sflag:$0x5], $0x2800, $0x38;
	[tilespmem:$0x1E080] =	vst v63  }
0x191: {  	s11 =	rddreg [dreg:$0x10]  }
0x192: {  	[tilespmem:s18], [sflag:$0x2] =	stream.linear.gather [hbm4b:s11+s2], $0x2800, $0x38;
	[tilespmem:$0x1E080] =	vst v63  }
0x193: {  	_ =	swait.ge [sflag:s29], $0x2800  }
0x194: {  	[sflag:s29] =	ssyncset.done $0x0  }
0x195: {  	[sflag:s29] =	ssyncadd.s32 $0xFFFFD800  }
0x196: {  	_ =	swait.ge [sflag:s4], $0x2800  }
0x197: {  	[sflag:s4] =	ssyncset.done $0x0  }
0x198: {  	[sflag:s4] =	ssyncadd.s32 $0xFFFFD800  }
0x199: {  	_ =	swait.ge [sflag:s4], $0x2800  }
0x19a: {  	[sflag:s4] =	ssyncset.done $0x0  }
0x19b: {  	[sflag:s4] =	ssyncadd.s32 $0xFFFFD800  }
0x19c: {  	_ =	swait.ge [sflag:s4], $0x2800  }
0x19d: {  	[sflag:s4] =	ssyncset.done $0x0  }
0x19e: {  	s10 =	simm.s32 $0x50C0;
	[sflag:s4] =	ssyncadd.s32 $0xFFFFD800  }
0x19f: {  	v6 =	vld [tilespmem:s10+$0x30]  }
0x1a0: {  	v9 =	vld [tilespmem:s10+$0xFFFFFFC0];
	_ =	sdelay $0x2  }
0x1a1: {  	v7 =	vld [tilespmem:s10+$0xFFFFFFD0]  }
0x1a2: {  	vm0 =	vgt.s32 v6, $0x0  }
0x1a3: {  	s6 =	simm.s32 $0x168C0;
	vm13 =	vgt.s32 v9, $0x0;
	v8 =	vsel vm0, v3, v0  }
0x1a4: {  	v9 =	vsel vm13, v3, v0;
	[tilespmem:s6+$0x30] =	vst v8  }
0x1a5: {  	s8 =	simm.s32 $0x190C0;
	v6 =	vld [tilespmem:s10+$0xFFFFFFE0];
	v8 =	vsel vm0, v4, v1;
	[tilespmem:s6+$0xFFFFFFC0] =	vst v9  }
0x1a6: {  	s9 =	simm.s32 $0x1B8C0;
	vm1 =	vgt.s32 v7, $0x0;
	v7 =	vsel vm0, v5, v2;
	[tilespmem:s8+$0x30] =	vst v8  }
0x1a7: {  	v8 =	vsel vm1, v3, v0;
	[tilespmem:s9+$0x30] =	vst v7  }
0x1a8: {  	v7 =	vsel vm1, v4, v1;
	[tilespmem:s6+$0xFFFFFFD0] =	vst v8  }
0x1a9: {  	v10 =	vsel vm13, v4, v1;
	[tilespmem:s8+$0xFFFFFFD0] =	vst v7;
	v7 =	vld [tilespmem:s10+$0xFFFFFFF0]  }
0x1aa: {  	v9 =	vld [tilespmem:s10+$0x20];
	[tilespmem:s8+$0xFFFFFFC0] =	vst v10;
	vm12 =	vgt.s32 v6, $0x0;
	v6 =	vsel vm1, v5, v2  }
0x1ab: {  	v11 =	vsel vm13, v5, v2;
	[tilespmem:s9+$0xFFFFFFD0] =	vst v6;
	v6 =	vld [tilespmem:s10+$0x0]  }
0x1ac: {  	[tilespmem:s9+$0xFFFFFFC0] =	vst v11;
	v8 =	vsel vm12, v3, v0  }
0x1ad: {  	v10 =	vsel vm12, v4, v1;
	[tilespmem:s6+$0xFFFFFFE0] =	vst v8;
	v8 =	vld [tilespmem:s10+$0x10]  }
0x1ae: {  	[tilespmem:s8+$0xFFFFFFE0] =	vst v10;
	vm14 =	vgt.s32 v7, $0x0;
	v7 =	vsel vm12, v5, v2  }
0x1af: {  	v10 =	vsel vm14, v3, v0;
	[tilespmem:s9+$0xFFFFFFE0] =	vst v7  }
0x1b0: {  	vm3 =	vgt.s32 v9, $0x0;
	vm15 =	vgt.s32 v6, $0x0;
	v6 =	vsel vm14, v4, v1;
	[tilespmem:s6+$0xFFFFFFF0] =	vst v10  }
0x1b1: {  	v9 =	vsel vm3, v3, v0;
	v7 =	vsel vm14, v5, v2;
	[tilespmem:s8+$0xFFFFFFF0] =	vst v6  }
0x1b2: {  	vm2 =	vgt.s32 v8, $0x0;
	v13 =	vsel vm15, v4, v1;
	v6 =	vsel vm15, v3, v0;
	[tilespmem:s9+$0xFFFFFFF0] =	vst v7  }
0x1b3: {  	v12 =	vsel vm15, v5, v2;
	v11 =	vsel vm2, v3, v0;
	v10 =	vsel vm2, v4, v1;
	[tilespmem:s6+$0x0] =	vst v6  }
0x1b4: {  	s11 =	simm.s32 $0x5140;
	s10 =	simm.s32 $0x0;
	v8 =	vsel vm2, v5, v2;
	v7 =	vsel vm3, v4, v1;
	v6 =	vsel vm3, v5, v2;
	[tilespmem:s8+$0x0] =	vst v13  }
.LBB2_12:
0x1b5: {  	v13 =	vld [tilespmem:s11+$0x30];
	[tilespmem:s9+$0x0] =	vst v12  }
0x1b6: {  	v12 =	vld [tilespmem:s11+$0xFFFFFFD0];
	[tilespmem:s6+$0x10] =	vst v11  }
0x1b7: {  	s10 =	sadd.s32 $0x8, s10;
	v11 =	vld [tilespmem:s11+$0xFFFFFFE0];
	[tilespmem:s8+$0x10] =	vst v10  }
0x1b8: {  	p0 =	slt.u32 s10, $0x278;
	v10 =	vld [tilespmem:s11+$0xFFFFFFF0];
	[tilespmem:s9+$0x10] =	vst v8  }
0x1b9: {  	v8 =	vld [tilespmem:s11+$0x0];
	[tilespmem:s6+$0x20] =	vst v9  }
0x1ba: {  	v9 =	vld [tilespmem:s11+$0x10];
	vm0 =	vgt.s32 v13, $0x0;
	[tilespmem:s8+$0x20] =	vst v7  }
0x1bb: {  	s6 =	sadd.s32 $0x80, s6;
	vm1 =	vgt.s32 v12, $0x0;
	v7 =	vld [tilespmem:s11+$0x20];
	v12 =	vsel vm0, v3, v0;
	[tilespmem:s9+$0x20] =	vst v6  }
0x1bc: {  	s8 =	sadd.s32 $0x80, s8;
	v6 =	vld [tilespmem:s11+$0xFFFFFFC0];
	v13 =	vsel vm1, v3, v0;
	vm2 =	vgt.s32 v11, $0x0;
	[tilespmem:s6+$0x30] =	vst v12;
	v11 =	vsel vm0, v4, v1  }
0x1bd: {  	s9 =	sadd.s32 $0x80, s9;
	v12 =	vsel vm1, v4, v1;
	vm3 =	vgt.s32 v10, $0x0;
	[tilespmem:s8+$0x30] =	vst v11;
	v10 =	vsel vm0, v5, v2  }
0x1be: {  	v11 =	vsel vm1, v5, v2;
	v14 =	vsel vm2, v3, v0;
	vm0 =	vgt.s32 v8, $0x0;
	[tilespmem:s9+$0x30] =	vst v10  }
0x1bf: {  	v15 =	vsel vm2, v5, v2;
	[tilespmem:s6+$0xFFFFFFD0] =	vst v13;
	v13 =	vsel vm2, v4, v1;
	vm1 =	vgt.s32 v9, $0x0  }
0x1c0: {  	v16 =	vsel vm3, v3, v0;
	v17 =	vsel vm3, v4, v1;
	[tilespmem:s8+$0xFFFFFFD0] =	vst v12;
	vm2 =	vgt.s32 v7, $0x0  }
0x1c1: {  	v18 =	vsel vm3, v5, v2;
	v19 =	vsel vm0, v3, v0;
	vm4 =	vgt.s32 v6, $0x0;
	[tilespmem:s9+$0xFFFFFFD0] =	vst v11  }
0x1c2: {  	v6 =	vsel vm4, v3, v0;
	v7 =	vsel vm4, v4, v1;
	v20 =	vsel vm4, v5, v2;
	[tilespmem:s6+$0xFFFFFFE0] =	vst v14  }
0x1c3: {  	v12 =	vsel vm0, v5, v2;
	v11 =	vsel vm1, v3, v0;
	v14 =	vsel vm0, v4, v1;
	[tilespmem:s6+$0xFFFFFFC0] =	vst v6  }
0x1c4: {  	v10 =	vsel vm1, v4, v1;
	v8 =	vsel vm1, v5, v2;
	v9 =	vsel vm2, v3, v0;
	[tilespmem:s8+$0xFFFFFFC0] =	vst v7  }
0x1c5: {  	v6 =	vsel vm2, v5, v2;
	v7 =	vsel vm2, v4, v1;
	[tilespmem:s9+$0xFFFFFFC0] =	vst v20  }
0x1c6: {  	[tilespmem:s8+$0xFFFFFFE0] =	vst v13  }
0x1c7: {  	[tilespmem:s9+$0xFFFFFFE0] =	vst v15  }
.Ltmp5:
0x1c8: {  	[tilespmem:s6+$0xFFFFFFF0] =	vst v16;
	(pc) =	sbr.rel @p0 .LBB2_12-.Ltmp5, $4  }
0x1c9: {  	[tilespmem:s8+$0xFFFFFFF0] =	vst v17  }
0x1ca: {  	[tilespmem:s9+$0xFFFFFFF0] =	vst v18  }
0x1cb: {  	[tilespmem:s6+$0x0] =	vst v19  }
0x1cc: {  	s11 =	sadd.s32 $0x80, s11;
	[tilespmem:s8+$0x0] =	vst v14  }
0x1cd: {  	[tilespmem:s9+$0x0] =	vst v12  }
0x1ce: {  	[tilespmem:s6+$0x10] =	vst v11  }
0x1cf: {  	[tilespmem:s6+$0x20] =	vst v9  }
0x1d0: {  	[tilespmem:s8+$0x10] =	vst v10  }
0x1d1: {  	[tilespmem:s8+$0x20] =	vst v7  }
0x1d2: {  	[tilespmem:s9+$0x10] =	vst v8  }
0x1d3: {  	[tilespmem:s9+$0x20] =	vst v6  }
0x1d4: {  	s6 =	rddreg [dreg:$0x11]  }
0x1d5: {  	s9 =	sld [smem:$0x7F8]  }
0x1d6: {  	[hbm4b:s6+s2] =	stream.linear.scatter [tilespmem:s30], [sflag:$0x6], $0x2800, $0x38;
	[tilespmem:$0x1E080] =	vst v63  }
0x1d7: {  	s10 =	sld [smem:$0x7F9]  }
0x1d8: {  	[hbm4b:s9+s2] =	stream.linear.scatter [tilespmem:s31], [sflag:$0x6], $0x2800, $0x38;
	[tilespmem:$0x1E080] =	vst v63  }
0x1d9: {  	_ = 	snop  }
0x1da: {  	[hbm4b:s10+s2] =	stream.linear.scatter [tilespmem:s1], [sflag:$0x6], $0x2800, $0x38;
	[tilespmem:$0x1E080] =	vst v63  }
0x1db: {  	s11 =	rddreg [dreg:$0x12]  }
0x1dc: {  	[tilespmem:s19], [sflag:$0x3] =	stream.linear.gather [hbm4b:s11+s2], $0x2800, $0x38;
	[tilespmem:$0x1E080] =	vst v63  }
0x1dd: {  	_ =	swait.ge [sflag:s20], $0x2800  }
0x1de: {  	[sflag:s20] =	ssyncset.done $0x0  }
0x1df: {  	[sflag:s20] =	ssyncadd.s32 $0xFFFFD800  }
0x1e0: {  	_ =	swait.ge [sflag:s0], $0x2800  }
0x1e1: {  	[sflag:s0] =	ssyncset.done $0x0  }
0x1e2: {  	[sflag:s0] =	ssyncadd.s32 $0xFFFFD800  }
0x1e3: {  	_ =	swait.ge [sflag:s0], $0x2800  }
0x1e4: {  	[sflag:s0] =	ssyncset.done $0x0  }
0x1e5: {  	[sflag:s0] =	ssyncadd.s32 $0xFFFFD800  }
0x1e6: {  	_ =	swait.ge [sflag:s0], $0x2800  }
0x1e7: {  	[sflag:s0] =	ssyncset.done $0x0  }
0x1e8: {  	s10 =	simm.s32 $0xC0;
	[sflag:s0] =	ssyncadd.s32 $0xFFFFD800  }
0x1e9: {  	v6 =	vld [tilespmem:s10+$0x30]  }
0x1ea: {  	v9 =	vld [tilespmem:s10+$0xFFFFFFC0];
	_ =	sdelay $0x2  }
0x1eb: {  	v7 =	vld [tilespmem:s10+$0xFFFFFFD0]  }
0x1ec: {  	vm0 =	vgt.s32 v6, $0x0  }
0x1ed: {  	s6 =	simm.s32 $0x78C0;
	vm13 =	vgt.s32 v9, $0x0;
	v8 =	vsel vm0, v3, v0  }
0x1ee: {  	v9 =	vsel vm13, v3, v0;
	[tilespmem:s6+$0x30] =	vst v8  }
0x1ef: {  	s8 =	simm.s32 $0xA0C0;
	v6 =	vld [tilespmem:s10+$0xFFFFFFE0];
	v8 =	vsel vm0, v4, v1;
	[tilespmem:s6+$0xFFFFFFC0] =	vst v9  }
0x1f0: {  	s9 =	simm.s32 $0xC8C0;
	vm1 =	vgt.s32 v7, $0x0;
	v7 =	vsel vm0, v5, v2;
	[tilespmem:s8+$0x30] =	vst v8  }
0x1f1: {  	v8 =	vsel vm1, v3, v0;
	[tilespmem:s9+$0x30] =	vst v7  }
0x1f2: {  	v7 =	vsel vm1, v4, v1;
	[tilespmem:s6+$0xFFFFFFD0] =	vst v8  }
0x1f3: {  	v10 =	vsel vm13, v4, v1;
	[tilespmem:s8+$0xFFFFFFD0] =	vst v7;
	v7 =	vld [tilespmem:s10+$0xFFFFFFF0]  }
0x1f4: {  	v9 =	vld [tilespmem:s10+$0x20];
	[tilespmem:s8+$0xFFFFFFC0] =	vst v10;
	vm12 =	vgt.s32 v6, $0x0;
	v6 =	vsel vm1, v5, v2  }
0x1f5: {  	v11 =	vsel vm13, v5, v2;
	[tilespmem:s9+$0xFFFFFFD0] =	vst v6;
	v6 =	vld [tilespmem:s10+$0x0]  }
0x1f6: {  	[tilespmem:s9+$0xFFFFFFC0] =	vst v11;
	v8 =	vsel vm12, v3, v0  }
0x1f7: {  	v10 =	vsel vm12, v4, v1;
	[tilespmem:s6+$0xFFFFFFE0] =	vst v8;
	v8 =	vld [tilespmem:s10+$0x10]  }
0x1f8: {  	[tilespmem:s8+$0xFFFFFFE0] =	vst v10;
	vm14 =	vgt.s32 v7, $0x0;
	v7 =	vsel vm12, v5, v2  }
0x1f9: {  	v10 =	vsel vm14, v3, v0;
	[tilespmem:s9+$0xFFFFFFE0] =	vst v7  }
0x1fa: {  	vm3 =	vgt.s32 v9, $0x0;
	vm15 =	vgt.s32 v6, $0x0;
	v6 =	vsel vm14, v4, v1;
	[tilespmem:s6+$0xFFFFFFF0] =	vst v10  }
0x1fb: {  	v9 =	vsel vm3, v3, v0;
	v7 =	vsel vm14, v5, v2;
	[tilespmem:s8+$0xFFFFFFF0] =	vst v6  }
0x1fc: {  	vm2 =	vgt.s32 v8, $0x0;
	v13 =	vsel vm15, v4, v1;
	v6 =	vsel vm15, v3, v0;
	[tilespmem:s9+$0xFFFFFFF0] =	vst v7  }
0x1fd: {  	v12 =	vsel vm15, v5, v2;
	v11 =	vsel vm2, v3, v0;
	v10 =	vsel vm2, v4, v1;
	[tilespmem:s6+$0x0] =	vst v6  }
0x1fe: {  	s11 =	simm.s32 $0x140;
	s10 =	simm.s32 $0x0;
	v8 =	vsel vm2, v5, v2;
	v7 =	vsel vm3, v4, v1;
	v6 =	vsel vm3, v5, v2;
	[tilespmem:s8+$0x0] =	vst v13  }
.LBB2_14:
0x1ff: {  	v13 =	vld [tilespmem:s11+$0x30];
	[tilespmem:s9+$0x0] =	vst v12  }
0x200: {  	v12 =	vld [tilespmem:s11+$0xFFFFFFD0];
	[tilespmem:s6+$0x10] =	vst v11  }
0x201: {  	s10 =	sadd.s32 $0x8, s10;
	v11 =	vld [tilespmem:s11+$0xFFFFFFE0];
	[tilespmem:s8+$0x10] =	vst v10  }
0x202: {  	p0 =	slt.u32 s10, $0x278;
	v10 =	vld [tilespmem:s11+$0xFFFFFFF0];
	[tilespmem:s9+$0x10] =	vst v8  }
0x203: {  	v8 =	vld [tilespmem:s11+$0x0];
	[tilespmem:s6+$0x20] =	vst v9  }
0x204: {  	v9 =	vld [tilespmem:s11+$0x10];
	vm0 =	vgt.s32 v13, $0x0;
	[tilespmem:s8+$0x20] =	vst v7  }
0x205: {  	s6 =	sadd.s32 $0x80, s6;
	vm1 =	vgt.s32 v12, $0x0;
	v7 =	vld [tilespmem:s11+$0x20];
	v12 =	vsel vm0, v3, v0;
	[tilespmem:s9+$0x20] =	vst v6  }
0x206: {  	s8 =	sadd.s32 $0x80, s8;
	v6 =	vld [tilespmem:s11+$0xFFFFFFC0];
	v13 =	vsel vm1, v3, v0;
	vm2 =	vgt.s32 v11, $0x0;
	[tilespmem:s6+$0x30] =	vst v12;
	v11 =	vsel vm0, v4, v1  }
0x207: {  	s9 =	sadd.s32 $0x80, s9;
	v12 =	vsel vm1, v4, v1;
	vm3 =	vgt.s32 v10, $0x0;
	[tilespmem:s8+$0x30] =	vst v11;
	v10 =	vsel vm0, v5, v2  }
0x208: {  	v11 =	vsel vm1, v5, v2;
	v14 =	vsel vm2, v3, v0;
	vm0 =	vgt.s32 v8, $0x0;
	[tilespmem:s9+$0x30] =	vst v10  }
0x209: {  	v15 =	vsel vm2, v5, v2;
	[tilespmem:s6+$0xFFFFFFD0] =	vst v13;
	v13 =	vsel vm2, v4, v1;
	vm1 =	vgt.s32 v9, $0x0  }
0x20a: {  	v16 =	vsel vm3, v3, v0;
	v17 =	vsel vm3, v4, v1;
	[tilespmem:s8+$0xFFFFFFD0] =	vst v12;
	vm2 =	vgt.s32 v7, $0x0  }
0x20b: {  	v18 =	vsel vm3, v5, v2;
	v19 =	vsel vm0, v3, v0;
	vm4 =	vgt.s32 v6, $0x0;
	[tilespmem:s9+$0xFFFFFFD0] =	vst v11  }
0x20c: {  	v6 =	vsel vm4, v3, v0;
	v7 =	vsel vm4, v4, v1;
	v20 =	vsel vm4, v5, v2;
	[tilespmem:s6+$0xFFFFFFE0] =	vst v14  }
0x20d: {  	v12 =	vsel vm0, v5, v2;
	v11 =	vsel vm1, v3, v0;
	v14 =	vsel vm0, v4, v1;
	[tilespmem:s6+$0xFFFFFFC0] =	vst v6  }
0x20e: {  	v10 =	vsel vm1, v4, v1;
	v8 =	vsel vm1, v5, v2;
	v9 =	vsel vm2, v3, v0;
	[tilespmem:s8+$0xFFFFFFC0] =	vst v7  }
0x20f: {  	v6 =	vsel vm2, v5, v2;
	v7 =	vsel vm2, v4, v1;
	[tilespmem:s9+$0xFFFFFFC0] =	vst v20  }
0x210: {  	[tilespmem:s8+$0xFFFFFFE0] =	vst v13  }
0x211: {  	[tilespmem:s9+$0xFFFFFFE0] =	vst v15  }
.Ltmp6:
0x212: {  	[tilespmem:s6+$0xFFFFFFF0] =	vst v16;
	(pc) =	sbr.rel @p0 .LBB2_14-.Ltmp6, $4  }
0x213: {  	[tilespmem:s8+$0xFFFFFFF0] =	vst v17  }
0x214: {  	[tilespmem:s9+$0xFFFFFFF0] =	vst v18  }
0x215: {  	[tilespmem:s6+$0x0] =	vst v19  }
0x216: {  	s11 =	sadd.s32 $0x80, s11;
	[tilespmem:s8+$0x0] =	vst v14  }
0x217: {  	[tilespmem:s9+$0x0] =	vst v12  }
0x218: {  	[tilespmem:s6+$0x10] =	vst v11  }
0x219: {  	[tilespmem:s6+$0x20] =	vst v9  }
0x21a: {  	[tilespmem:s8+$0x10] =	vst v10  }
0x21b: {  	[tilespmem:s8+$0x20] =	vst v7  }
0x21c: {  	[tilespmem:s9+$0x10] =	vst v8  }
0x21d: {  	[tilespmem:s9+$0x20] =	vst v6  }
0x21e: {  	s6 =	rddreg [dreg:$0x13]  }
0x21f: {  	s9 =	sld [smem:$0x7FA]  }
0x220: {  	[hbm4b:s6+s2] =	stream.linear.scatter [tilespmem:s21], [sflag:$0x4], $0x2800, $0x38;
	[tilespmem:$0x1E080] =	vst v63  }
0x221: {  	s10 =	sld [smem:$0x7FB]  }
0x222: {  	[hbm4b:s9+s2] =	stream.linear.scatter [tilespmem:s22], [sflag:$0x4], $0x2800, $0x38;
	[tilespmem:$0x1E080] =	vst v63  }
0x223: {  	_ = 	snop  }
0x224: {  	[hbm4b:s10+s2] =	stream.linear.scatter [tilespmem:s23], [sflag:$0x4], $0x2800, $0x38;
	[tilespmem:$0x1E080] =	vst v63  }
0x225: {  	s11 =	rddreg [dreg:$0x14]  }
0x226: {  	[tilespmem:s17], [sflag:$0x1] =	stream.linear.gather [hbm4b:s11+s2], $0x2800, $0x38;
	[tilespmem:$0x1E080] =	vst v63  }
0x227: {  	_ =	swait.ge [sflag:s24], $0x2800  }
0x228: {  	[sflag:s24] =	ssyncset.done $0x0  }
0x229: {  	[sflag:s24] =	ssyncadd.s32 $0xFFFFD800  }
0x22a: {  	_ =	swait.ge [sflag:s3], $0x2800  }
0x22b: {  	[sflag:s3] =	ssyncset.done $0x0  }
0x22c: {  	[sflag:s3] =	ssyncadd.s32 $0xFFFFD800  }
0x22d: {  	_ =	swait.ge [sflag:s3], $0x2800  }
0x22e: {  	[sflag:s3] =	ssyncset.done $0x0  }
0x22f: {  	[sflag:s3] =	ssyncadd.s32 $0xFFFFD800  }
0x230: {  	_ =	swait.ge [sflag:s3], $0x2800  }
0x231: {  	[sflag:s3] =	ssyncset.done $0x0  }
0x232: {  	s10 =	simm.s32 $0x28C0;
	[sflag:s3] =	ssyncadd.s32 $0xFFFFD800  }
0x233: {  	v6 =	vld [tilespmem:s10+$0x30]  }
0x234: {  	v9 =	vld [tilespmem:s10+$0xFFFFFFC0];
	_ =	sdelay $0x2  }
0x235: {  	v7 =	vld [tilespmem:s10+$0xFFFFFFD0]  }
0x236: {  	vm0 =	vgt.s32 v6, $0x0  }
0x237: {  	s6 =	simm.s32 $0xF0C0;
	vm13 =	vgt.s32 v9, $0x0;
	v8 =	vsel vm0, v3, v0  }
0x238: {  	v9 =	vsel vm13, v3, v0;
	[tilespmem:s6+$0x30] =	vst v8  }
0x239: {  	s8 =	simm.s32 $0x118C0;
	v6 =	vld [tilespmem:s10+$0xFFFFFFE0];
	v8 =	vsel vm0, v4, v1;
	[tilespmem:s6+$0xFFFFFFC0] =	vst v9  }
0x23a: {  	s9 =	simm.s32 $0x140C0;
	vm1 =	vgt.s32 v7, $0x0;
	v7 =	vsel vm0, v5, v2;
	[tilespmem:s8+$0x30] =	vst v8  }
0x23b: {  	v8 =	vsel vm1, v3, v0;
	[tilespmem:s9+$0x30] =	vst v7  }
0x23c: {  	v7 =	vsel vm1, v4, v1;
	[tilespmem:s6+$0xFFFFFFD0] =	vst v8  }
0x23d: {  	v10 =	vsel vm13, v4, v1;
	[tilespmem:s8+$0xFFFFFFD0] =	vst v7;
	v7 =	vld [tilespmem:s10+$0xFFFFFFF0]  }
0x23e: {  	v9 =	vld [tilespmem:s10+$0x20];
	[tilespmem:s8+$0xFFFFFFC0] =	vst v10;
	vm12 =	vgt.s32 v6, $0x0;
	v6 =	vsel vm1, v5, v2  }
0x23f: {  	v11 =	vsel vm13, v5, v2;
	[tilespmem:s9+$0xFFFFFFD0] =	vst v6;
	v6 =	vld [tilespmem:s10+$0x0]  }
0x240: {  	[tilespmem:s9+$0xFFFFFFC0] =	vst v11;
	v8 =	vsel vm12, v3, v0  }
0x241: {  	v10 =	vsel vm12, v4, v1;
	[tilespmem:s6+$0xFFFFFFE0] =	vst v8;
	v8 =	vld [tilespmem:s10+$0x10]  }
0x242: {  	[tilespmem:s8+$0xFFFFFFE0] =	vst v10;
	vm14 =	vgt.s32 v7, $0x0;
	v7 =	vsel vm12, v5, v2  }
0x243: {  	v10 =	vsel vm14, v3, v0;
	[tilespmem:s9+$0xFFFFFFE0] =	vst v7  }
0x244: {  	vm3 =	vgt.s32 v9, $0x0;
	vm15 =	vgt.s32 v6, $0x0;
	v6 =	vsel vm14, v4, v1;
	[tilespmem:s6+$0xFFFFFFF0] =	vst v10  }
0x245: {  	v9 =	vsel vm3, v3, v0;
	v7 =	vsel vm14, v5, v2;
	[tilespmem:s8+$0xFFFFFFF0] =	vst v6  }
0x246: {  	vm2 =	vgt.s32 v8, $0x0;
	v13 =	vsel vm15, v4, v1;
	v6 =	vsel vm15, v3, v0;
	[tilespmem:s9+$0xFFFFFFF0] =	vst v7  }
0x247: {  	v12 =	vsel vm15, v5, v2;
	v11 =	vsel vm2, v3, v0;
	v10 =	vsel vm2, v4, v1;
	[tilespmem:s6+$0x0] =	vst v6  }
0x248: {  	s11 =	simm.s32 $0x2940;
	s10 =	simm.s32 $0x0;
	v8 =	vsel vm2, v5, v2;
	v7 =	vsel vm3, v4, v1;
	v6 =	vsel vm3, v5, v2;
	[tilespmem:s8+$0x0] =	vst v13  }
.LBB2_16:
0x249: {  	v13 =	vld [tilespmem:s11+$0x30];
	[tilespmem:s9+$0x0] =	vst v12  }
0x24a: {  	v12 =	vld [tilespmem:s11+$0xFFFFFFD0];
	[tilespmem:s6+$0x10] =	vst v11  }
0x24b: {  	s10 =	sadd.s32 $0x8, s10;
	v11 =	vld [tilespmem:s11+$0xFFFFFFE0];
	[tilespmem:s8+$0x10] =	vst v10  }
0x24c: {  	p0 =	slt.u32 s10, $0x278;
	v10 =	vld [tilespmem:s11+$0xFFFFFFF0];
	[tilespmem:s9+$0x10] =	vst v8  }
0x24d: {  	v8 =	vld [tilespmem:s11+$0x0];
	[tilespmem:s6+$0x20] =	vst v9  }
0x24e: {  	v9 =	vld [tilespmem:s11+$0x10];
	vm0 =	vgt.s32 v13, $0x0;
	[tilespmem:s8+$0x20] =	vst v7  }
0x24f: {  	s6 =	sadd.s32 $0x80, s6;
	vm1 =	vgt.s32 v12, $0x0;
	v7 =	vld [tilespmem:s11+$0x20];
	v12 =	vsel vm0, v3, v0;
	[tilespmem:s9+$0x20] =	vst v6  }
0x250: {  	s8 =	sadd.s32 $0x80, s8;
	v6 =	vld [tilespmem:s11+$0xFFFFFFC0];
	v13 =	vsel vm1, v3, v0;
	vm2 =	vgt.s32 v11, $0x0;
	[tilespmem:s6+$0x30] =	vst v12;
	v11 =	vsel vm0, v4, v1  }
0x251: {  	s9 =	sadd.s32 $0x80, s9;
	v12 =	vsel vm1, v4, v1;
	vm3 =	vgt.s32 v10, $0x0;
	[tilespmem:s8+$0x30] =	vst v11;
	v10 =	vsel vm0, v5, v2  }
0x252: {  	v11 =	vsel vm1, v5, v2;
	v14 =	vsel vm2, v3, v0;
	vm0 =	vgt.s32 v8, $0x0;
	[tilespmem:s9+$0x30] =	vst v10  }
0x253: {  	v15 =	vsel vm2, v5, v2;
	[tilespmem:s6+$0xFFFFFFD0] =	vst v13;
	v13 =	vsel vm2, v4, v1;
	vm1 =	vgt.s32 v9, $0x0  }
0x254: {  	v16 =	vsel vm3, v3, v0;
	v17 =	vsel vm3, v4, v1;
	[tilespmem:s8+$0xFFFFFFD0] =	vst v12;
	vm2 =	vgt.s32 v7, $0x0  }
0x255: {  	v18 =	vsel vm3, v5, v2;
	v19 =	vsel vm0, v3, v0;
	vm4 =	vgt.s32 v6, $0x0;
	[tilespmem:s9+$0xFFFFFFD0] =	vst v11  }
0x256: {  	v6 =	vsel vm4, v3, v0;
	v7 =	vsel vm4, v4, v1;
	v20 =	vsel vm4, v5, v2;
	[tilespmem:s6+$0xFFFFFFE0] =	vst v14  }
0x257: {  	v12 =	vsel vm0, v5, v2;
	v11 =	vsel vm1, v3, v0;
	v14 =	vsel vm0, v4, v1;
	[tilespmem:s6+$0xFFFFFFC0] =	vst v6  }
0x258: {  	v10 =	vsel vm1, v4, v1;
	v8 =	vsel vm1, v5, v2;
	v9 =	vsel vm2, v3, v0;
	[tilespmem:s8+$0xFFFFFFC0] =	vst v7  }
0x259: {  	v6 =	vsel vm2, v5, v2;
	v7 =	vsel vm2, v4, v1;
	[tilespmem:s9+$0xFFFFFFC0] =	vst v20  }
0x25a: {  	[tilespmem:s8+$0xFFFFFFE0] =	vst v13  }
0x25b: {  	[tilespmem:s9+$0xFFFFFFE0] =	vst v15  }
.Ltmp7:
0x25c: {  	[tilespmem:s6+$0xFFFFFFF0] =	vst v16;
	(pc) =	sbr.rel @p0 .LBB2_16-.Ltmp7, $4  }
0x25d: {  	[tilespmem:s8+$0xFFFFFFF0] =	vst v17  }
0x25e: {  	[tilespmem:s9+$0xFFFFFFF0] =	vst v18  }
0x25f: {  	[tilespmem:s6+$0x0] =	vst v19  }
0x260: {  	s11 =	sadd.s32 $0x80, s11;
	[tilespmem:s8+$0x0] =	vst v14  }
0x261: {  	[tilespmem:s9+$0x0] =	vst v12  }
0x262: {  	[tilespmem:s6+$0x10] =	vst v11  }
0x263: {  	[tilespmem:s6+$0x20] =	vst v9  }
0x264: {  	[tilespmem:s8+$0x10] =	vst v10  }
0x265: {  	[tilespmem:s8+$0x20] =	vst v7  }
0x266: {  	[tilespmem:s9+$0x10] =	vst v8  }
0x267: {  	[tilespmem:s9+$0x20] =	vst v6  }
0x268: {  	s6 =	rddreg [dreg:$0x15]  }
0x269: {  	s10 =	sld [smem:$0x7FC]  }
0x26a: {  	[hbm4b:s6+s2] =	stream.linear.scatter [tilespmem:s25], [sflag:$0x5], $0x2800, $0x38;
	[tilespmem:$0x1E080] =	vst v63  }
0x26b: {  	s11 =	sld [smem:$0x7FD]  }
0x26c: {  	[hbm4b:s10+s2] =	stream.linear.scatter [tilespmem:s26], [sflag:$0x5], $0x2800, $0x38;
	[tilespmem:$0x1E080] =	vst v63  }
0x26d: {  	_ = 	snop  }
0x26e: {  	[hbm4b:s11+s2] =	stream.linear.scatter [tilespmem:s28], [sflag:$0x5], $0x2800, $0x38;
	[tilespmem:$0x1E080] =	vst v63  }
0x26f: {  	_ =	swait.ge [sflag:s29], $0x2800  }
0x270: {  	[sflag:s29] =	ssyncset.done $0x0  }
0x271: {  	[sflag:s29] =	ssyncadd.s32 $0xFFFFD800  }
0x272: {  	_ =	swait.ge [sflag:s4], $0x2800  }
0x273: {  	[sflag:s4] =	ssyncset.done $0x0  }
0x274: {  	[sflag:s4] =	ssyncadd.s32 $0xFFFFD800  }
0x275: {  	_ =	swait.ge [sflag:s4], $0x2800  }
0x276: {  	[sflag:s4] =	ssyncset.done $0x0  }
0x277: {  	[sflag:s4] =	ssyncadd.s32 $0xFFFFD800  }
0x278: {  	_ =	swait.ge [sflag:s4], $0x2800  }
0x279: {  	[sflag:s4] =	ssyncset.done $0x0  }
0x27a: {  	s10 =	simm.s32 $0x50C0;
	[sflag:s4] =	ssyncadd.s32 $0xFFFFD800  }
0x27b: {  	v6 =	vld [tilespmem:s10+$0x30]  }
0x27c: {  	v9 =	vld [tilespmem:s10+$0xFFFFFFC0];
	_ =	sdelay $0x2  }
0x27d: {  	v7 =	vld [tilespmem:s10+$0xFFFFFFD0]  }
0x27e: {  	vm0 =	vgt.s32 v6, $0x0  }
0x27f: {  	s6 =	simm.s32 $0x168C0;
	vm13 =	vgt.s32 v9, $0x0;
	v8 =	vsel vm0, v3, v0  }
0x280: {  	v9 =	vsel vm13, v3, v0;
	[tilespmem:s6+$0x30] =	vst v8  }
0x281: {  	s8 =	simm.s32 $0x190C0;
	v6 =	vld [tilespmem:s10+$0xFFFFFFE0];
	v8 =	vsel vm0, v4, v1;
	[tilespmem:s6+$0xFFFFFFC0] =	vst v9  }
0x282: {  	s9 =	simm.s32 $0x1B8C0;
	vm1 =	vgt.s32 v7, $0x0;
	v7 =	vsel vm0, v5, v2;
	[tilespmem:s8+$0x30] =	vst v8  }
0x283: {  	v8 =	vsel vm1, v3, v0;
	[tilespmem:s9+$0x30] =	vst v7  }
0x284: {  	v7 =	vsel vm1, v4, v1;
	[tilespmem:s6+$0xFFFFFFD0] =	vst v8  }
0x285: {  	v10 =	vsel vm13, v4, v1;
	[tilespmem:s8+$0xFFFFFFD0] =	vst v7;
	v7 =	vld [tilespmem:s10+$0xFFFFFFF0]  }
0x286: {  	v9 =	vld [tilespmem:s10+$0x20];
	[tilespmem:s8+$0xFFFFFFC0] =	vst v10;
	vm12 =	vgt.s32 v6, $0x0;
	v6 =	vsel vm1, v5, v2  }
0x287: {  	v11 =	vsel vm13, v5, v2;
	[tilespmem:s9+$0xFFFFFFD0] =	vst v6;
	v6 =	vld [tilespmem:s10+$0x0]  }
0x288: {  	[tilespmem:s9+$0xFFFFFFC0] =	vst v11;
	v8 =	vsel vm12, v3, v0  }
0x289: {  	v10 =	vsel vm12, v4, v1;
	[tilespmem:s6+$0xFFFFFFE0] =	vst v8;
	v8 =	vld [tilespmem:s10+$0x10]  }
0x28a: {  	[tilespmem:s8+$0xFFFFFFE0] =	vst v10;
	vm14 =	vgt.s32 v7, $0x0;
	v7 =	vsel vm12, v5, v2  }
0x28b: {  	v10 =	vsel vm14, v3, v0;
	[tilespmem:s9+$0xFFFFFFE0] =	vst v7  }
0x28c: {  	vm3 =	vgt.s32 v9, $0x0;
	vm15 =	vgt.s32 v6, $0x0;
	v6 =	vsel vm14, v4, v1;
	[tilespmem:s6+$0xFFFFFFF0] =	vst v10  }
0x28d: {  	v9 =	vsel vm3, v3, v0;
	v7 =	vsel vm14, v5, v2;
	[tilespmem:s8+$0xFFFFFFF0] =	vst v6  }
0x28e: {  	vm2 =	vgt.s32 v8, $0x0;
	v13 =	vsel vm15, v4, v1;
	v6 =	vsel vm15, v3, v0;
	[tilespmem:s9+$0xFFFFFFF0] =	vst v7  }
0x28f: {  	v12 =	vsel vm15, v5, v2;
	v11 =	vsel vm2, v3, v0;
	v10 =	vsel vm2, v4, v1;
	[tilespmem:s6+$0x0] =	vst v6  }
0x290: {  	s11 =	simm.s32 $0x5140;
	s10 =	simm.s32 $0x0;
	v8 =	vsel vm2, v5, v2;
	v7 =	vsel vm3, v4, v1;
	v6 =	vsel vm3, v5, v2;
	[tilespmem:s8+$0x0] =	vst v13  }
.LBB2_18:
0x291: {  	v13 =	vld [tilespmem:s11+$0x30];
	[tilespmem:s9+$0x0] =	vst v12  }
0x292: {  	v12 =	vld [tilespmem:s11+$0xFFFFFFD0];
	[tilespmem:s6+$0x10] =	vst v11  }
0x293: {  	s10 =	sadd.s32 $0x8, s10;
	v11 =	vld [tilespmem:s11+$0xFFFFFFE0];
	[tilespmem:s8+$0x10] =	vst v10  }
0x294: {  	p0 =	slt.u32 s10, $0x278;
	v10 =	vld [tilespmem:s11+$0xFFFFFFF0];
	[tilespmem:s9+$0x10] =	vst v8  }
0x295: {  	v8 =	vld [tilespmem:s11+$0x0];
	[tilespmem:s6+$0x20] =	vst v9  }
0x296: {  	v9 =	vld [tilespmem:s11+$0x10];
	vm0 =	vgt.s32 v13, $0x0;
	[tilespmem:s8+$0x20] =	vst v7  }
0x297: {  	s6 =	sadd.s32 $0x80, s6;
	vm1 =	vgt.s32 v12, $0x0;
	v7 =	vld [tilespmem:s11+$0x20];
	v12 =	vsel vm0, v3, v0;
	[tilespmem:s9+$0x20] =	vst v6  }
0x298: {  	s8 =	sadd.s32 $0x80, s8;
	v6 =	vld [tilespmem:s11+$0xFFFFFFC0];
	v13 =	vsel vm1, v3, v0;
	vm2 =	vgt.s32 v11, $0x0;
	[tilespmem:s6+$0x30] =	vst v12;
	v11 =	vsel vm0, v4, v1  }
0x299: {  	s9 =	sadd.s32 $0x80, s9;
	v12 =	vsel vm1, v4, v1;
	vm3 =	vgt.s32 v10, $0x0;
	[tilespmem:s8+$0x30] =	vst v11;
	v10 =	vsel vm0, v5, v2  }
0x29a: {  	v11 =	vsel vm1, v5, v2;
	v14 =	vsel vm2, v3, v0;
	vm0 =	vgt.s32 v8, $0x0;
	[tilespmem:s9+$0x30] =	vst v10  }
0x29b: {  	v15 =	vsel vm2, v5, v2;
	[tilespmem:s6+$0xFFFFFFD0] =	vst v13;
	v13 =	vsel vm2, v4, v1;
	vm1 =	vgt.s32 v9, $0x0  }
0x29c: {  	v16 =	vsel vm3, v3, v0;
	v17 =	vsel vm3, v4, v1;
	[tilespmem:s8+$0xFFFFFFD0] =	vst v12;
	vm2 =	vgt.s32 v7, $0x0  }
0x29d: {  	v18 =	vsel vm3, v5, v2;
	v19 =	vsel vm0, v3, v0;
	vm4 =	vgt.s32 v6, $0x0;
	[tilespmem:s9+$0xFFFFFFD0] =	vst v11  }
0x29e: {  	v6 =	vsel vm4, v3, v0;
	v7 =	vsel vm4, v4, v1;
	v20 =	vsel vm4, v5, v2;
	[tilespmem:s6+$0xFFFFFFE0] =	vst v14  }
0x29f: {  	v12 =	vsel vm0, v5, v2;
	v11 =	vsel vm1, v3, v0;
	v14 =	vsel vm0, v4, v1;
	[tilespmem:s6+$0xFFFFFFC0] =	vst v6  }
0x2a0: {  	v10 =	vsel vm1, v4, v1;
	v8 =	vsel vm1, v5, v2;
	v9 =	vsel vm2, v3, v0;
	[tilespmem:s8+$0xFFFFFFC0] =	vst v7  }
0x2a1: {  	v6 =	vsel vm2, v5, v2;
	v7 =	vsel vm2, v4, v1;
	[tilespmem:s9+$0xFFFFFFC0] =	vst v20  }
0x2a2: {  	[tilespmem:s8+$0xFFFFFFE0] =	vst v13  }
0x2a3: {  	[tilespmem:s9+$0xFFFFFFE0] =	vst v15  }
.Ltmp8:
0x2a4: {  	[tilespmem:s6+$0xFFFFFFF0] =	vst v16;
	(pc) =	sbr.rel @p0 .LBB2_18-.Ltmp8, $4  }
0x2a5: {  	[tilespmem:s8+$0xFFFFFFF0] =	vst v17  }
0x2a6: {  	[tilespmem:s9+$0xFFFFFFF0] =	vst v18  }
0x2a7: {  	[tilespmem:s6+$0x0] =	vst v19  }
0x2a8: {  	s11 =	sadd.s32 $0x80, s11;
	[tilespmem:s8+$0x0] =	vst v14  }
0x2a9: {  	[tilespmem:s9+$0x0] =	vst v12  }
0x2aa: {  	[tilespmem:s6+$0x10] =	vst v11  }
0x2ab: {  	[tilespmem:s6+$0x20] =	vst v9  }
0x2ac: {  	[tilespmem:s8+$0x10] =	vst v10  }
0x2ad: {  	[tilespmem:s8+$0x20] =	vst v7  }
0x2ae: {  	[tilespmem:s9+$0x10] =	vst v8  }
0x2af: {  	[tilespmem:s9+$0x20] =	vst v6  }
0x2b0: {  	s6 =	rddreg [dreg:$0x16]  }
0x2b1: {  	[hbm4b:s6+s2] =	stream.linear.scatter [tilespmem:s30], [sflag:$0x6], $0x2800, $0x38;
	[tilespmem:$0x1E080] =	vst v63  }
0x2b2: {  	_ = 	snop  }
0x2b3: {  	[hbm4b:s12+s2] =	stream.linear.scatter [tilespmem:s31], [sflag:$0x6], $0x2800, $0x38;
	[tilespmem:$0x1E080] =	vst v63  }
0x2b4: {  	_ = 	snop  }
0x2b5: {  	[hbm4b:s13+s2] =	stream.linear.scatter [tilespmem:s1], [sflag:$0x6], $0x2800, $0x38;
	[tilespmem:$0x1E080] =	vst v63  }
0x2b6: {  	_ =	swait.ge [sflag:s20], $0x2800  }
0x2b7: {  	[sflag:s20] =	ssyncset.done $0x0  }
0x2b8: {  	[sflag:s20] =	ssyncadd.s32 $0xFFFFD800  }
0x2b9: {  	_ =	swait.ge [sflag:s0], $0x2800  }
0x2ba: {  	[sflag:s0] =	ssyncset.done $0x0  }
0x2bb: {  	[sflag:s0] =	ssyncadd.s32 $0xFFFFD800  }
0x2bc: {  	_ =	swait.ge [sflag:s0], $0x2800  }
0x2bd: {  	[sflag:s0] =	ssyncset.done $0x0  }
0x2be: {  	[sflag:s0] =	ssyncadd.s32 $0xFFFFD800  }
0x2bf: {  	_ =	swait.ge [sflag:s0], $0x2800  }
0x2c0: {  	[sflag:s0] =	ssyncset.done $0x0  }
0x2c1: {  	s10 =	simm.s32 $0xC0;
	[sflag:s0] =	ssyncadd.s32 $0xFFFFD800  }
0x2c2: {  	v6 =	vld [tilespmem:s10+$0x30]  }
0x2c3: {  	v9 =	vld [tilespmem:s10+$0xFFFFFFC0];
	_ =	sdelay $0x2  }
0x2c4: {  	v7 =	vld [tilespmem:s10+$0xFFFFFFD0]  }
0x2c5: {  	vm0 =	vgt.s32 v6, $0x0  }
0x2c6: {  	s6 =	simm.s32 $0x78C0;
	vm13 =	vgt.s32 v9, $0x0;
	v8 =	vsel vm0, v3, v0  }
0x2c7: {  	v9 =	vsel vm13, v3, v0;
	[tilespmem:s6+$0x30] =	vst v8  }
0x2c8: {  	s8 =	simm.s32 $0xA0C0;
	v6 =	vld [tilespmem:s10+$0xFFFFFFE0];
	v8 =	vsel vm0, v4, v1;
	[tilespmem:s6+$0xFFFFFFC0] =	vst v9  }
0x2c9: {  	s9 =	simm.s32 $0xC8C0;
	vm1 =	vgt.s32 v7, $0x0;
	v7 =	vsel vm0, v5, v2;
	[tilespmem:s8+$0x30] =	vst v8  }
0x2ca: {  	v8 =	vsel vm1, v3, v0;
	[tilespmem:s9+$0x30] =	vst v7  }
0x2cb: {  	v7 =	vsel vm1, v4, v1;
	[tilespmem:s6+$0xFFFFFFD0] =	vst v8  }
0x2cc: {  	v10 =	vsel vm13, v4, v1;
	[tilespmem:s8+$0xFFFFFFD0] =	vst v7;
	v7 =	vld [tilespmem:s10+$0xFFFFFFF0]  }
0x2cd: {  	v9 =	vld [tilespmem:s10+$0x20];
	[tilespmem:s8+$0xFFFFFFC0] =	vst v10;
	vm12 =	vgt.s32 v6, $0x0;
	v6 =	vsel vm1, v5, v2  }
0x2ce: {  	v11 =	vsel vm13, v5, v2;
	[tilespmem:s9+$0xFFFFFFD0] =	vst v6;
	v6 =	vld [tilespmem:s10+$0x0]  }
0x2cf: {  	[tilespmem:s9+$0xFFFFFFC0] =	vst v11;
	v8 =	vsel vm12, v3, v0  }
0x2d0: {  	v10 =	vsel vm12, v4, v1;
	[tilespmem:s6+$0xFFFFFFE0] =	vst v8;
	v8 =	vld [tilespmem:s10+$0x10]  }
0x2d1: {  	[tilespmem:s8+$0xFFFFFFE0] =	vst v10;
	vm14 =	vgt.s32 v7, $0x0;
	v7 =	vsel vm12, v5, v2  }
0x2d2: {  	v10 =	vsel vm14, v3, v0;
	[tilespmem:s9+$0xFFFFFFE0] =	vst v7  }
0x2d3: {  	vm3 =	vgt.s32 v9, $0x0;
	vm15 =	vgt.s32 v6, $0x0;
	v6 =	vsel vm14, v4, v1;
	[tilespmem:s6+$0xFFFFFFF0] =	vst v10  }
0x2d4: {  	v9 =	vsel vm3, v3, v0;
	v7 =	vsel vm14, v5, v2;
	[tilespmem:s8+$0xFFFFFFF0] =	vst v6  }
0x2d5: {  	vm2 =	vgt.s32 v8, $0x0;
	v13 =	vsel vm15, v4, v1;
	v6 =	vsel vm15, v3, v0;
	[tilespmem:s9+$0xFFFFFFF0] =	vst v7  }
0x2d6: {  	v12 =	vsel vm15, v5, v2;
	v11 =	vsel vm2, v3, v0;
	v10 =	vsel vm2, v4, v1;
	[tilespmem:s6+$0x0] =	vst v6  }
0x2d7: {  	s11 =	simm.s32 $0x140;
	s10 =	simm.s32 $0x0;
	v8 =	vsel vm2, v5, v2;
	v7 =	vsel vm3, v4, v1;
	v6 =	vsel vm3, v5, v2;
	[tilespmem:s8+$0x0] =	vst v13  }
.LBB2_20:
0x2d8: {  	v13 =	vld [tilespmem:s11+$0x30];
	[tilespmem:s9+$0x0] =	vst v12  }
0x2d9: {  	v12 =	vld [tilespmem:s11+$0xFFFFFFD0];
	[tilespmem:s6+$0x10] =	vst v11  }
0x2da: {  	s10 =	sadd.s32 $0x8, s10;
	v11 =	vld [tilespmem:s11+$0xFFFFFFE0];
	[tilespmem:s8+$0x10] =	vst v10  }
0x2db: {  	p0 =	slt.u32 s10, $0x278;
	v10 =	vld [tilespmem:s11+$0xFFFFFFF0];
	[tilespmem:s9+$0x10] =	vst v8  }
0x2dc: {  	v8 =	vld [tilespmem:s11+$0x0];
	[tilespmem:s6+$0x20] =	vst v9  }
0x2dd: {  	v9 =	vld [tilespmem:s11+$0x10];
	vm0 =	vgt.s32 v13, $0x0;
	[tilespmem:s8+$0x20] =	vst v7  }
0x2de: {  	s6 =	sadd.s32 $0x80, s6;
	vm1 =	vgt.s32 v12, $0x0;
	v7 =	vld [tilespmem:s11+$0x20];
	v12 =	vsel vm0, v3, v0;
	[tilespmem:s9+$0x20] =	vst v6  }
0x2df: {  	s8 =	sadd.s32 $0x80, s8;
	v6 =	vld [tilespmem:s11+$0xFFFFFFC0];
	v13 =	vsel vm1, v3, v0;
	vm2 =	vgt.s32 v11, $0x0;
	[tilespmem:s6+$0x30] =	vst v12;
	v11 =	vsel vm0, v4, v1  }
0x2e0: {  	s9 =	sadd.s32 $0x80, s9;
	v12 =	vsel vm1, v4, v1;
	vm3 =	vgt.s32 v10, $0x0;
	[tilespmem:s8+$0x30] =	vst v11;
	v10 =	vsel vm0, v5, v2  }
0x2e1: {  	v11 =	vsel vm1, v5, v2;
	v14 =	vsel vm2, v3, v0;
	vm0 =	vgt.s32 v8, $0x0;
	[tilespmem:s9+$0x30] =	vst v10  }
0x2e2: {  	v15 =	vsel vm2, v5, v2;
	[tilespmem:s6+$0xFFFFFFD0] =	vst v13;
	v13 =	vsel vm2, v4, v1;
	vm1 =	vgt.s32 v9, $0x0  }
0x2e3: {  	v16 =	vsel vm3, v3, v0;
	v17 =	vsel vm3, v4, v1;
	[tilespmem:s8+$0xFFFFFFD0] =	vst v12;
	vm2 =	vgt.s32 v7, $0x0  }
0x2e4: {  	v18 =	vsel vm3, v5, v2;
	v19 =	vsel vm0, v3, v0;
	vm4 =	vgt.s32 v6, $0x0;
	[tilespmem:s9+$0xFFFFFFD0] =	vst v11  }
0x2e5: {  	v6 =	vsel vm4, v3, v0;
	v7 =	vsel vm4, v4, v1;
	v20 =	vsel vm4, v5, v2;
	[tilespmem:s6+$0xFFFFFFE0] =	vst v14  }
0x2e6: {  	v12 =	vsel vm0, v5, v2;
	v11 =	vsel vm1, v3, v0;
	v14 =	vsel vm0, v4, v1;
	[tilespmem:s6+$0xFFFFFFC0] =	vst v6  }
0x2e7: {  	v10 =	vsel vm1, v4, v1;
	v8 =	vsel vm1, v5, v2;
	v9 =	vsel vm2, v3, v0;
	[tilespmem:s8+$0xFFFFFFC0] =	vst v7  }
0x2e8: {  	v6 =	vsel vm2, v5, v2;
	v7 =	vsel vm2, v4, v1;
	[tilespmem:s9+$0xFFFFFFC0] =	vst v20  }
0x2e9: {  	[tilespmem:s8+$0xFFFFFFE0] =	vst v13  }
0x2ea: {  	[tilespmem:s9+$0xFFFFFFE0] =	vst v15  }
.Ltmp9:
0x2eb: {  	[tilespmem:s6+$0xFFFFFFF0] =	vst v16;
	(pc) =	sbr.rel @p0 .LBB2_20-.Ltmp9, $4  }
0x2ec: {  	[tilespmem:s8+$0xFFFFFFF0] =	vst v17  }
0x2ed: {  	[tilespmem:s9+$0xFFFFFFF0] =	vst v18  }
0x2ee: {  	[tilespmem:s6+$0x0] =	vst v19  }
0x2ef: {  	s11 =	sadd.s32 $0x80, s11;
	[tilespmem:s8+$0x0] =	vst v14  }
0x2f0: {  	[tilespmem:s9+$0x0] =	vst v12  }
0x2f1: {  	[tilespmem:s6+$0x10] =	vst v11  }
0x2f2: {  	[tilespmem:s6+$0x20] =	vst v9  }
0x2f3: {  	[tilespmem:s8+$0x10] =	vst v10  }
0x2f4: {  	[tilespmem:s8+$0x20] =	vst v7  }
0x2f5: {  	[tilespmem:s9+$0x10] =	vst v8  }
0x2f6: {  	[tilespmem:s9+$0x20] =	vst v6  }
0x2f7: {  	s6 =	rddreg [dreg:$0x17]  }
0x2f8: {  	[hbm4b:s6+s2] =	stream.linear.scatter [tilespmem:s21], [sflag:$0x4], $0x2800, $0x38;
	[tilespmem:$0x1E080] =	vst v63  }
0x2f9: {  	_ = 	snop  }
0x2fa: {  	[hbm4b:s14+s2] =	stream.linear.scatter [tilespmem:s22], [sflag:$0x4], $0x2800, $0x38;
	[tilespmem:$0x1E080] =	vst v63  }
0x2fb: {  	_ = 	snop  }
0x2fc: {  	[hbm4b:s15+s2] =	stream.linear.scatter [tilespmem:s23], [sflag:$0x4], $0x2800, $0x38;
	[tilespmem:$0x1E080] =	vst v63  }
0x2fd: {  	_ =	swait.ge [sflag:s3], $0x2800  }
0x2fe: {  	[sflag:s3] =	ssyncset.done $0x0  }
0x2ff: {  	[sflag:s3] =	ssyncadd.s32 $0xFFFFD800  }
0x300: {  	_ =	swait.ge [sflag:s3], $0x2800  }
0x301: {  	[sflag:s3] =	ssyncset.done $0x0  }
0x302: {  	[sflag:s3] =	ssyncadd.s32 $0xFFFFD800  }
0x303: {  	_ =	swait.ge [sflag:s3], $0x2800  }
0x304: {  	[sflag:s3] =	ssyncset.done $0x0  }
0x305: {  	[sflag:s3] =	ssyncadd.s32 $0xFFFFD800  }
0x306: {  	_ =	swait.ge [sflag:s4], $0x2800  }
0x307: {  	[sflag:s4] =	ssyncset.done $0x0  }
0x308: {  	[sflag:s4] =	ssyncadd.s32 $0xFFFFD800  }
0x309: {  	_ =	swait.ge [sflag:s4], $0x2800  }
0x30a: {  	[sflag:s4] =	ssyncset.done $0x0  }
0x30b: {  	[sflag:s4] =	ssyncadd.s32 $0xFFFFD800  }
0x30c: {  	_ =	swait.ge [sflag:s4], $0x2800  }
0x30d: {  	[sflag:s4] =	ssyncset.done $0x0  }
0x30e: {  	[sflag:s4] =	ssyncadd.s32 $0xFFFFD800  }
0x30f: {  	_ =	swait.ge [sflag:s0], $0x2800  }
0x310: {  	[sflag:s0] =	ssyncset.done $0x0  }
0x311: {  	[sflag:s0] =	ssyncadd.s32 $0xFFFFD800  }
0x312: {  	_ =	swait.ge [sflag:s0], $0x2800  }
0x313: {  	[sflag:s0] =	ssyncset.done $0x0  }
0x314: {  	[sflag:s0] =	ssyncadd.s32 $0xFFFFD800  }
0x315: {  	_ =	swait.ge [sflag:s0], $0x2800  }
0x316: {  	s5 =	sadd.s32 $0x1, s5;
	s11 =	rddreg [dreg:$0x19]  }
0x317: {  	p0 =	sne.s32 s5, s11  }
.Ltmp10:
0x318: {  	_ = 	snop;
	(pc) =	sbr.rel @p0 .LBB2_1-.Ltmp10, $4  }
0x319: {  	_ = 	snop  }
0x31a: {  	[sflag:s0] =	ssyncset.done $0x0  }
0x31b: {  	[sflag:s0] =	ssyncadd.s32 $0xFFFFD800  }
0x31c: {  	[tilespmem:$0x0] =	vst v0  }
0x31d: {  	_ =	sfence.sel $0x180000  }
0x31e: {  	[bflag:$0x0] =	sbarrier.arrive $0xFFFF  }
0x31f: {  	_ =	strace $0x90000047  }
0x320: {  	s0 =	stileid.u32;
	[bflag:$0x2] =	sbarrier.arrive $0xFFFF  }
0x321: {  	p0 =	sne.s32 s0, $0x0;
	s0 =	rddreg [dreg:$0x3]  }
0x322: {  	s0 =	sadd.s32 @!p0 $0x100000, s0  }
0x323: {  	[sflag:s0] =	ssyncadd.tile.s32 @!p0 $0x1;
	_ =	shalt  }
.Lfunc_end2:
_tile_overlayer_lowered:
.L_overlay_start_2:
0x324: {  	(tag) =	ssettag $0x2  }
0x325: {  	s0 =	rddreg [dreg:$0x0];
	s2 =	stileid.u32  }
0x326: {  	s1 =	rddreg [dreg:$0x1];
	p0 =	sne.s32 s2, $0x0  }
0x327: {  	s3 =	rddreg [dreg:$0x2];
	[bflag:$0x3] =	sbarrier.arrive $0xFFFF;
	s2 =	simm.s32 @!p0 $0x1C07  }
0x328: {  	[timem:s3], [sflag:s2] =	dma.local @!p0 [hbm:s0], s1  }
0x329: {  	s0 =	simm.s32 @!p0 $0x7  }
0x32a: {  	_ =	swait.ge @!p0 [sflag:s0], s1  }
0x32b: {  	s1 =	ssub.s32 @!p0 $0x0, s1;
	[sflag:s0] =	ssyncset.done @!p0 $0x0  }
0x32c: {  	[sflag:s0] =	ssyncadd.s32 @!p0 s1  }
0x32d: {  	[bflag:$0x3] =	sbarrier.arrive $0xFFFF  }
0x32e: {  	_ =	shalt  }

</sc_bundles>
